<compile_context>
chip_gen: v7x
topology: tpu7x:2x2x1
jax: 0.10.2.dev20260603
libtpu: 0.0.44.dev20260713+nightly
codegen_flags: <defaults>
</compile_context>

<pallas_src>
import functools

import jax
import jax.numpy as jnp
from jax import lax
from jax.experimental import pallas as pl
from jax.experimental.pallas import tpu as pltpu
from jax.experimental.pallas import tpu_sc as plsc

B = 4096
D = 32
H = 32
K = 5
BLK = 1024
NC, NS = 2, 16
NW = NC * NS
RPW = B // NW
WPB = BLK // RPW


def _tc_body(xb_ref, xf_ref, w1_ref, b1_ref, w2_ref, b2_ref, idx_ref, y_ref):
    xb = xb_ref[...]
    xf = xf_ref[...]

    h = lax.dot_general(xb, w1_ref[...], (((1,), (1,)), ((), ())),
                        preferred_element_type=jnp.float32)
    h = jnp.maximum(h + b1_ref[...], 0.0)
    y = lax.dot_general(h, w2_ref[...], (((1,), (1,)), ((), ())),
                        preferred_element_type=jnp.float32)
    y_ref[...] = y * 0.2 + b2_ref[...] * 0.2

    sqb = jnp.sum(xb * xb, axis=1)
    sqf = jnp.sum(xf * xf, axis=1)
    g = lax.dot_general(xb, xf, (((1,), (1,)), ((), ())),
                        preferred_element_type=jnp.float32)
    d2 = jnp.maximum(sqb[:, None] + sqf[None, :] - 2.0 * g, 0.0)

    i = pl.program_id(0)

    def store(j, sel):
        for w in range(WPB):
            off = (i * WPB + w) * (K * RPW) + j * RPW
            idx_ref[pl.ds(off, RPW)] = sel[w * RPW:(w + 1) * RPW]

    cols = lax.broadcasted_iota(jnp.int32, (BLK, B), 1)
    rows = i * BLK + lax.iota(jnp.int32, BLK)
    store(0, rows)
    d2 = jnp.where(cols == rows[:, None], jnp.inf, d2)
    for j in range(1, K):
        sel = jnp.argmin(d2, axis=1).astype(jnp.int32)
        store(j, sel)
        d2 = jnp.where(cols == sel[:, None], jnp.inf, d2)


def _tc_knn(x, w1, b1, w2, b2):
    grid = B // BLK
    return pl.pallas_call(
        _tc_body,
        grid=(grid,),
        in_specs=[
            pl.BlockSpec((BLK, D), lambda i: (i, 0)),
            pl.BlockSpec((B, D), lambda i: (0, 0)),
            pl.BlockSpec((H, D), lambda i: (0, 0)),
            pl.BlockSpec((1, H), lambda i: (0, 0)),
            pl.BlockSpec((H, H), lambda i: (0, 0)),
            pl.BlockSpec((1, H), lambda i: (0, 0)),
        ],
        out_specs=[
            pl.BlockSpec((NW * K * RPW,), lambda i: (0,)),
            pl.BlockSpec((BLK, H), lambda i: (i, 0)),
        ],
        out_shape=[
            jax.ShapeDtypeStruct((NW * K * RPW,), jnp.int32),
            jax.ShapeDtypeStruct((B, H), jnp.float32),
        ],
    )(x, x, w1, b1.reshape(1, H), w2, b2.reshape(1, H))


@functools.cache
def _build_sc_gather_sum():
    mesh = plsc.VectorSubcoreMesh(core_axis_name="c", subcore_axis_name="s")

    @functools.partial(
        pl.kernel,
        mesh=mesh,
        out_type=jax.ShapeDtypeStruct((B, H), jnp.float32),
        scratch_types=[
            pltpu.VMEM((K * RPW,), jnp.int32),
            pltpu.VMEM((K, RPW, H), jnp.float32),
            pltpu.VMEM((RPW, H), jnp.float32),
            pltpu.SemaphoreType.DMA,
        ],
        compiler_params=pltpu.CompilerParams(use_tc_tiling_on_sc=False),
    )
    def _sc_gather_sum(y_hbm, idx_hbm, out_hbm, idx_v, rows_v, out_v, sem):
        wid = lax.axis_index("s") * NC + lax.axis_index("c")
        base = wid * RPW
        pltpu.sync_copy(idx_hbm.at[pl.ds(wid * (K * RPW), K * RPW)], idx_v)
        copies = [
            pltpu.async_copy(y_hbm.at[idx_v.at[pl.ds(j * RPW, RPW)]],
                             rows_v.at[j], sem)
            for j in range(K)
        ]
        for c in copies:
            c.wait()

        def body(r, carry):
            for c in (0, 16):
                s = rows_v[0, r, pl.ds(c, 16)]
                for j in range(1, K):
                    s = s + rows_v[j, r, pl.ds(c, 16)]
                out_v[r, pl.ds(c, 16)] = s
            return carry

        lax.fori_loop(0, RPW, body, 0)
        pltpu.sync_copy(out_v, out_hbm.at[pl.ds(base, RPW)])

    return _sc_gather_sum


def kernel(x, W1, b1, W2, b2):
    idx, y = _tc_knn(x, W1, b1, W2, b2)
    return _build_sc_gather_sum()(y, idx)

# --- scband reference (transcript-rebuilt; emitter-appended) ---
"""Pipeline reference for scband-gnnencoder-61323543052635 (READ-ONLY COPY).

The authoritative reference and input builder live on the scoring server;
editing this copy changes nothing except your own understanding.
"""

import jax, jax.numpy as jnp
import numpy as np

B, D, H = 4096, 32, 32

def setup_inputs(seed: int = 0) -> dict:
    key = jax.random.key(seed)
    k1, k2, k3, k4, k5 = jax.random.split(key, 5)
    x = jax.random.normal(k1, (B, D), dtype=jnp.float32)
    s1 = 1.0 / np.sqrt(D)
    s2 = 1.0 / np.sqrt(H)
    W1 = jax.random.uniform(k2, (H, D), jnp.float32, -s1, s1)
    b1 = jax.random.uniform(k3, (H,), jnp.float32, -s1, s1)
    W2 = jax.random.uniform(k4, (H, H), jnp.float32, -s2, s2)
    b2 = jax.random.uniform(k5, (H,), jnp.float32, -s2, s2)
    return {"x": x, "W1": W1, "b1": b1, "W2": W2, "b2": b2}

def reference(x, W1, b1, W2, b2):
    # torch.cdist(x, x) with p=2 (euclidean)
    sq = jnp.sum(x * x, axis=1)
    sim2 = sq[:, None] + sq[None, :] - 2.0 * (x @ x.T)
    sim = jnp.sqrt(jnp.clip(sim2, 0.0))
    k = min(5, x.shape[0])
    _, knn_idx = jax.lax.top_k(-sim, k)  # [B, k] nearest neighbors (incl. self)
    neighbors = x[knn_idx]               # gather: [B, k, D]
    h = jax.nn.relu(jnp.einsum('bkd,hd->bkh', neighbors, W1) + b1)
    agg = jnp.mean(h, axis=1)            # [B, H]
    return agg @ W2.T + b2

if __name__ == "__main__":
    import jax
    _d = setup_inputs()
    print(jax.jit(kernel)(*tuple(_d.values())))

</pallas_src>

<mosaic_0001>
#map = affine_map<(d0, d1) -> (0, 0)>
#map1 = affine_map<(d0, d1) -> (0)>
module attributes {stable_mosaic.version = 14 : i64} {
  func.func @_sc_gather_sum(%arg0: i32, %arg1: i32, %arg2: memref<4096x32xf32, #tpu.memory_space<hbm>>, %arg3: memref<20480xi32, #tpu.memory_space<hbm>>, %arg4: memref<4096x32xf32, #tpu.memory_space<hbm>>, %arg5: memref<640xi32, #tpu.memory_space<vmem>>, %arg6: memref<5x128x32xf32, #tpu.memory_space<vmem>>, %arg7: memref<128x32xf32, #tpu.memory_space<vmem>>, %arg8: memref<!tpu.dma_semaphore, #tpu.memory_space<semaphore_mem>>) attributes {dimension_semantics = [#tpu.dimension_semantics<core_parallel>, #tpu.dimension_semantics<subcore_parallel>], iteration_bounds = array<i64: 2, 16>, scalar_prefetch = 0 : i64, scratch_operands = 4 : i64, tpu.core_type = #tpu.core_type<sc_vector_subcore>, window_params = [{transform_indices = #map}, {transform_indices = #map1}, {transform_indices = #map}]} {
    %mul3A = arith.constant 2 : i32
    %mul3A_0 = arith.muli %arg1, %mul3A : i32
    %add3A = arith.addi %mul3A_0, %arg0 : i32
    %mul3A_1 = arith.constant 128 : i32
    %mul3A_2 = arith.muli %add3A, %mul3A_1 : i32
    %mul3A_3 = arith.constant 640 : i32
    %mul3A_4 = arith.muli %add3A, %mul3A_3 : i32
    "tpu.region"() ({
      %run_scoped3A = tpu.sem_alloc : memref<!tpu.dma_semaphore, #tpu.memory_space<semaphore_mem>>
      %dma_start3A_108 = tpu.memref_slice %arg3[%mul3A_4] : memref<20480xi32, #tpu.memory_space<hbm>> -> memref<640xi32, #tpu.memory_space<hbm>>
      %dma_start3A_109 = tpu.memref_slice %arg3[%mul3A_4] : memref<20480xi32, #tpu.memory_space<hbm>> -> memref<640xi32, #tpu.memory_space<hbm>>
      tpu.enqueue_dma source(%dma_start3A_109 : memref<640xi32, #tpu.memory_space<hbm>>) target(%arg5 : memref<640xi32, #tpu.memory_space<vmem>>) target_semaphore(%run_scoped3A : memref<!tpu.dma_semaphore, #tpu.memory_space<semaphore_mem>>)
      %dma_wait3A_110 = tpu.memref_slice %arg3[%mul3A_4] : memref<20480xi32, #tpu.memory_space<hbm>> -> memref<640xi32, #tpu.memory_space<hbm>>
      %dma_wait3A_111 = tpu.memref_slice %arg3[%mul3A_4] : memref<20480xi32, #tpu.memory_space<hbm>> -> memref<640xi32, #tpu.memory_space<hbm>>
      tpu.wait_dma2 semaphore(%run_scoped3A : memref<!tpu.dma_semaphore, #tpu.memory_space<semaphore_mem>>) src(%dma_wait3A_111 : memref<640xi32, #tpu.memory_space<hbm>>) dst(%arg5 : memref<640xi32, #tpu.memory_space<vmem>>)
      tpu.yield
    }) : () -> ()
    %dma_start3A = arith.constant 0 : i32
    %dma_start3A_5 = arith.constant 0 : i32
    %dma_start3A_6 = arith.constant 0 : i32
    %dma_start3A_7 = tpu.memref_slice %arg6[%dma_start3A, %dma_start3A_5, %dma_start3A_6] : memref<5x128x32xf32, #tpu.memory_space<vmem>> -> memref<1x128x32xf32, #tpu.memory_space<vmem>>
    %dma_start3A_8 = tpu.memref_squeeze %dma_start3A_7 : memref<1x128x32xf32, #tpu.memory_space<vmem>> -> memref<128x32xf32, #tpu.memory_space<vmem>>
    %dma_start3A_9 = arith.constant 0 : i32
    %dma_start3A_10 = tpu.memref_slice %arg5[%dma_start3A_9] : memref<640xi32, #tpu.memory_space<vmem>> -> memref<128xi32, #tpu.memory_space<vmem>>
    %dma_start3A_11 = arith.constant 0 : i32
    %dma_start3A_12 = arith.constant 0 : i32
    %dma_start3A_13 = tpu.memref_slice %arg2[%dma_start3A_11, %dma_start3A_12] : memref<4096x32xf32, #tpu.memory_space<hbm>> -> memref<4096x32xf32, #tpu.memory_space<hbm>>
    tpu.enqueue_indirect_dma source(%dma_start3A_13 : memref<4096x32xf32, #tpu.memory_space<hbm>>) target(%dma_start3A_8 : memref<128x32xf32, #tpu.memory_space<vmem>>) offsets(%dma_start3A_10 : memref<128xi32, #tpu.memory_space<vmem>>) semaphore(%arg8 : memref<!tpu.dma_semaphore, #tpu.memory_space<semaphore_mem>>)
    %dma_start3A_14 = arith.constant 1 : i32
    %dma_start3A_15 = arith.constant 0 : i32
    %dma_start3A_16 = arith.constant 0 : i32
    %dma_start3A_17 = tpu.memref_slice %arg6[%dma_start3A_14, %dma_start3A_15, %dma_start3A_16] : memref<5x128x32xf32, #tpu.memory_space<vmem>> -> memref<1x128x32xf32, #tpu.memory_space<vmem>>
    %dma_start3A_18 = tpu.memref_squeeze %dma_start3A_17 : memref<1x128x32xf32, #tpu.memory_space<vmem>> -> memref<128x32xf32, #tpu.memory_space<vmem>>
    %dma_start3A_19 = arith.constant 128 : i32
    %dma_start3A_20 = tpu.memref_slice %arg5[%dma_start3A_19] : memref<640xi32, #tpu.memory_space<vmem>> -> memref<128xi32, #tpu.memory_space<vmem>>
    %dma_start3A_21 = arith.constant 0 : i32
    %dma_start3A_22 = arith.constant 0 : i32
    %dma_start3A_23 = tpu.memref_slice %arg2[%dma_start3A_21, %dma_start3A_22] : memref<4096x32xf32, #tpu.memory_space<hbm>> -> memref<4096x32xf32, #tpu.memory_space<hbm>>
    tpu.enqueue_indirect_dma source(%dma_start3A_23 : memref<4096x32xf32, #tpu.memory_space<hbm>>) target(%dma_start3A_18 : memref<128x32xf32, #tpu.memory_space<vmem>>) offsets(%dma_start3A_20 : memref<128xi32, #tpu.memory_space<vmem>>) semaphore(%arg8 : memref<!tpu.dma_semaphore, #tpu.memory_space<semaphore_mem>>)
    %dma_start3A_24 = arith.constant 2 : i32
    %dma_start3A_25 = arith.constant 0 : i32
    %dma_start3A_26 = arith.constant 0 : i32
    %dma_start3A_27 = tpu.memref_slice %arg6[%dma_start3A_24, %dma_start3A_25, %dma_start3A_26] : memref<5x128x32xf32, #tpu.memory_space<vmem>> -> memref<1x128x32xf32, #tpu.memory_space<vmem>>
    %dma_start3A_28 = tpu.memref_squeeze %dma_start3A_27 : memref<1x128x32xf32, #tpu.memory_space<vmem>> -> memref<128x32xf32, #tpu.memory_space<vmem>>
    %dma_start3A_29 = arith.constant 256 : i32
    %dma_start3A_30 = tpu.memref_slice %arg5[%dma_start3A_29] : memref<640xi32, #tpu.memory_space<vmem>> -> memref<128xi32, #tpu.memory_space<vmem>>
    %dma_start3A_31 = arith.constant 0 : i32
    %dma_start3A_32 = arith.constant 0 : i32
    %dma_start3A_33 = tpu.memref_slice %arg2[%dma_start3A_31, %dma_start3A_32] : memref<4096x32xf32, #tpu.memory_space<hbm>> -> memref<4096x32xf32, #tpu.memory_space<hbm>>
    tpu.enqueue_indirect_dma source(%dma_start3A_33 : memref<4096x32xf32, #tpu.memory_space<hbm>>) target(%dma_start3A_28 : memref<128x32xf32, #tpu.memory_space<vmem>>) offsets(%dma_start3A_30 : memref<128xi32, #tpu.memory_space<vmem>>) semaphore(%arg8 : memref<!tpu.dma_semaphore, #tpu.memory_space<semaphore_mem>>)
    %dma_start3A_34 = arith.constant 3 : i32
    %dma_start3A_35 = arith.constant 0 : i32
    %dma_start3A_36 = arith.constant 0 : i32
    %dma_start3A_37 = tpu.memref_slice %arg6[%dma_start3A_34, %dma_start3A_35, %dma_start3A_36] : memref<5x128x32xf32, #tpu.memory_space<vmem>> -> memref<1x128x32xf32, #tpu.memory_space<vmem>>
    %dma_start3A_38 = tpu.memref_squeeze %dma_start3A_37 : memref<1x128x32xf32, #tpu.memory_space<vmem>> -> memref<128x32xf32, #tpu.memory_space<vmem>>
    %dma_start3A_39 = arith.constant 384 : i32
    %dma_start3A_40 = tpu.memref_slice %arg5[%dma_start3A_39] : memref<640xi32, #tpu.memory_space<vmem>> -> memref<128xi32, #tpu.memory_space<vmem>>
    %dma_start3A_41 = arith.constant 0 : i32
    %dma_start3A_42 = arith.constant 0 : i32
    %dma_start3A_43 = tpu.memref_slice %arg2[%dma_start3A_41, %dma_start3A_42] : memref<4096x32xf32, #tpu.memory_space<hbm>> -> memref<4096x32xf32, #tpu.memory_space<hbm>>
    tpu.enqueue_indirect_dma source(%dma_start3A_43 : memref<4096x32xf32, #tpu.memory_space<hbm>>) target(%dma_start3A_38 : memref<128x32xf32, #tpu.memory_space<vmem>>) offsets(%dma_start3A_40 : memref<128xi32, #tpu.memory_space<vmem>>) semaphore(%arg8 : memref<!tpu.dma_semaphore, #tpu.memory_space<semaphore_mem>>)
    %dma_start3A_44 = arith.constant 4 : i32
    %dma_start3A_45 = arith.constant 0 : i32
    %dma_start3A_46 = arith.constant 0 : i32
    %dma_start3A_47 = tpu.memref_slice %arg6[%dma_start3A_44, %dma_start3A_45, %dma_start3A_46] : memref<5x128x32xf32, #tpu.memory_space<vmem>> -> memref<1x128x32xf32, #tpu.memory_space<vmem>>
    %dma_start3A_48 = tpu.memref_squeeze %dma_start3A_47 : memref<1x128x32xf32, #tpu.memory_space<vmem>> -> memref<128x32xf32, #tpu.memory_space<vmem>>
    %dma_start3A_49 = arith.constant 512 : i32
    %dma_start3A_50 = tpu.memref_slice %arg5[%dma_start3A_49] : memref<640xi32, #tpu.memory_space<vmem>> -> memref<128xi32, #tpu.memory_space<vmem>>
    %dma_start3A_51 = arith.constant 0 : i32
    %dma_start3A_52 = arith.constant 0 : i32
    %dma_start3A_53 = tpu.memref_slice %arg2[%dma_start3A_51, %dma_start3A_52] : memref<4096x32xf32, #tpu.memory_space<hbm>> -> memref<4096x32xf32, #tpu.memory_space<hbm>>
    tpu.enqueue_indirect_dma source(%dma_start3A_53 : memref<4096x32xf32, #tpu.memory_space<hbm>>) target(%dma_start3A_48 : memref<128x32xf32, #tpu.memory_space<vmem>>) offsets(%dma_start3A_50 : memref<128xi32, #tpu.memory_space<vmem>>) semaphore(%arg8 : memref<!tpu.dma_semaphore, #tpu.memory_space<semaphore_mem>>)
    %dma_wait3A = arith.constant 0 : i32
    %dma_wait3A_54 = arith.constant 0 : i32
    %dma_wait3A_55 = arith.constant 0 : i32
    %dma_wait3A_56 = tpu.memref_slice %arg6[%dma_wait3A, %dma_wait3A_54, %dma_wait3A_55] : memref<5x128x32xf32, #tpu.memory_space<vmem>> -> memref<1x128x32xf32, #tpu.memory_space<vmem>>
    %dma_wait3A_57 = tpu.memref_squeeze %dma_wait3A_56 : memref<1x128x32xf32, #tpu.memory_space<vmem>> -> memref<128x32xf32, #tpu.memory_space<vmem>>
    %dma_wait3A_58 = arith.constant 0 : i32
    %dma_wait3A_59 = tpu.memref_slice %arg5[%dma_wait3A_58] : memref<640xi32, #tpu.memory_space<vmem>> -> memref<128xi32, #tpu.memory_space<vmem>>
    %dma_wait3A_60 = arith.constant 0 : i32
    %dma_wait3A_61 = arith.constant 0 : i32
    %dma_wait3A_62 = tpu.memref_slice %arg2[%dma_wait3A_60, %dma_wait3A_61] : memref<4096x32xf32, #tpu.memory_space<hbm>> -> memref<4096x32xf32, #tpu.memory_space<hbm>>
    tpu.wait_indirect_dma semaphore(%arg8 : memref<!tpu.dma_semaphore, #tpu.memory_space<semaphore_mem>>) src(%dma_wait3A_62 : memref<4096x32xf32, #tpu.memory_space<hbm>>) dst(%dma_wait3A_57 : memref<128x32xf32, #tpu.memory_space<vmem>>)
    %dma_wait3A_63 = arith.constant 1 : i32
    %dma_wait3A_64 = arith.constant 0 : i32
    %dma_wait3A_65 = arith.constant 0 : i32
    %dma_wait3A_66 = tpu.memref_slice %arg6[%dma_wait3A_63, %dma_wait3A_64, %dma_wait3A_65] : memref<5x128x32xf32, #tpu.memory_space<vmem>> -> memref<1x128x32xf32, #tpu.memory_space<vmem>>
    %dma_wait3A_67 = tpu.memref_squeeze %dma_wait3A_66 : memref<1x128x32xf32, #tpu.memory_space<vmem>> -> memref<128x32xf32, #tpu.memory_space<vmem>>
    %dma_wait3A_68 = arith.constant 128 : i32
    %dma_wait3A_69 = tpu.memref_slice %arg5[%dma_wait3A_68] : memref<640xi32, #tpu.memory_space<vmem>> -> memref<128xi32, #tpu.memory_space<vmem>>
    %dma_wait3A_70 = arith.constant 0 : i32
    %dma_wait3A_71 = arith.constant 0 : i32
    %dma_wait3A_72 = tpu.memref_slice %arg2[%dma_wait3A_70, %dma_wait3A_71] : memref<4096x32xf32, #tpu.memory_space<hbm>> -> memref<4096x32xf32, #tpu.memory_space<hbm>>
    tpu.wait_indirect_dma semaphore(%arg8 : memref<!tpu.dma_semaphore, #tpu.memory_space<semaphore_mem>>) src(%dma_wait3A_72 : memref<4096x32xf32, #tpu.memory_space<hbm>>) dst(%dma_wait3A_67 : memref<128x32xf32, #tpu.memory_space<vmem>>)
    %dma_wait3A_73 = arith.constant 2 : i32
    %dma_wait3A_74 = arith.constant 0 : i32
    %dma_wait3A_75 = arith.constant 0 : i32
    %dma_wait3A_76 = tpu.memref_slice %arg6[%dma_wait3A_73, %dma_wait3A_74, %dma_wait3A_75] : memref<5x128x32xf32, #tpu.memory_space<vmem>> -> memref<1x128x32xf32, #tpu.memory_space<vmem>>
    %dma_wait3A_77 = tpu.memref_squeeze %dma_wait3A_76 : memref<1x128x32xf32, #tpu.memory_space<vmem>> -> memref<128x32xf32, #tpu.memory_space<vmem>>
    %dma_wait3A_78 = arith.constant 256 : i32
    %dma_wait3A_79 = tpu.memref_slice %arg5[%dma_wait3A_78] : memref<640xi32, #tpu.memory_space<vmem>> -> memref<128xi32, #tpu.memory_space<vmem>>
    %dma_wait3A_80 = arith.constant 0 : i32
    %dma_wait3A_81 = arith.constant 0 : i32
    %dma_wait3A_82 = tpu.memref_slice %arg2[%dma_wait3A_80, %dma_wait3A_81] : memref<4096x32xf32, #tpu.memory_space<hbm>> -> memref<4096x32xf32, #tpu.memory_space<hbm>>
    tpu.wait_indirect_dma semaphore(%arg8 : memref<!tpu.dma_semaphore, #tpu.memory_space<semaphore_mem>>) src(%dma_wait3A_82 : memref<4096x32xf32, #tpu.memory_space<hbm>>) dst(%dma_wait3A_77 : memref<128x32xf32, #tpu.memory_space<vmem>>)
    %dma_wait3A_83 = arith.constant 3 : i32
    %dma_wait3A_84 = arith.constant 0 : i32
    %dma_wait3A_85 = arith.constant 0 : i32
    %dma_wait3A_86 = tpu.memref_slice %arg6[%dma_wait3A_83, %dma_wait3A_84, %dma_wait3A_85] : memref<5x128x32xf32, #tpu.memory_space<vmem>> -> memref<1x128x32xf32, #tpu.memory_space<vmem>>
    %dma_wait3A_87 = tpu.memref_squeeze %dma_wait3A_86 : memref<1x128x32xf32, #tpu.memory_space<vmem>> -> memref<128x32xf32, #tpu.memory_space<vmem>>
    %dma_wait3A_88 = arith.constant 384 : i32
    %dma_wait3A_89 = tpu.memref_slice %arg5[%dma_wait3A_88] : memref<640xi32, #tpu.memory_space<vmem>> -> memref<128xi32, #tpu.memory_space<vmem>>
    %dma_wait3A_90 = arith.constant 0 : i32
    %dma_wait3A_91 = arith.constant 0 : i32
    %dma_wait3A_92 = tpu.memref_slice %arg2[%dma_wait3A_90, %dma_wait3A_91] : memref<4096x32xf32, #tpu.memory_space<hbm>> -> memref<4096x32xf32, #tpu.memory_space<hbm>>
    tpu.wait_indirect_dma semaphore(%arg8 : memref<!tpu.dma_semaphore, #tpu.memory_space<semaphore_mem>>) src(%dma_wait3A_92 : memref<4096x32xf32, #tpu.memory_space<hbm>>) dst(%dma_wait3A_87 : memref<128x32xf32, #tpu.memory_space<vmem>>)
    %dma_wait3A_93 = arith.constant 4 : i32
    %dma_wait3A_94 = arith.constant 0 : i32
    %dma_wait3A_95 = arith.constant 0 : i32
    %dma_wait3A_96 = tpu.memref_slice %arg6[%dma_wait3A_93, %dma_wait3A_94, %dma_wait3A_95] : memref<5x128x32xf32, #tpu.memory_space<vmem>> -> memref<1x128x32xf32, #tpu.memory_space<vmem>>
    %dma_wait3A_97 = tpu.memref_squeeze %dma_wait3A_96 : memref<1x128x32xf32, #tpu.memory_space<vmem>> -> memref<128x32xf32, #tpu.memory_space<vmem>>
    %dma_wait3A_98 = arith.constant 512 : i32
    %dma_wait3A_99 = tpu.memref_slice %arg5[%dma_wait3A_98] : memref<640xi32, #tpu.memory_space<vmem>> -> memref<128xi32, #tpu.memory_space<vmem>>
    %dma_wait3A_100 = arith.constant 0 : i32
    %dma_wait3A_101 = arith.constant 0 : i32
    %dma_wait3A_102 = tpu.memref_slice %arg2[%dma_wait3A_100, %dma_wait3A_101] : memref<4096x32xf32, #tpu.memory_space<hbm>> -> memref<4096x32xf32, #tpu.memory_space<hbm>>
    tpu.wait_indirect_dma semaphore(%arg8 : memref<!tpu.dma_semaphore, #tpu.memory_space<semaphore_mem>>) src(%dma_wait3A_102 : memref<4096x32xf32, #tpu.memory_space<hbm>>) dst(%dma_wait3A_97 : memref<128x32xf32, #tpu.memory_space<vmem>>)
    %scan3A = arith.constant 0 : i32
    %scan3A_103 = arith.constant 0 : i32
    %scan3A_104 = arith.constant 128 : i32
    %scan3A_105 = arith.addi %scan3A_103, %scan3A_104 : i32
    %scan3A_106 = arith.constant 1 : i32
    scf.for %scan3A_108 = %scan3A_103 to %scan3A_105 step %scan3A_106  : i32 {
      %get3A = arith.constant 0 : i32
      %get3A_109 = arith.index_cast %get3A : i32 to index
      %get3A_110 = arith.index_cast %scan3A_108 : i32 to index
      %get3A_111 = arith.constant 0 : index
      %get3A_112 = tpu.vector_load %arg6[%get3A_109, %get3A_110, %get3A_111] {strides = array<i32>} : memref<5x128x32xf32, #tpu.memory_space<vmem>>, vector<1x1x16xf32>,
      %get3A_113 = vector.shape_cast %get3A_112 : vector<1x1x16xf32> to vector<16xf32>
      %get3A_114 = arith.constant 1 : i32
      %get3A_115 = arith.index_cast %get3A_114 : i32 to index
      %get3A_116 = arith.index_cast %scan3A_108 : i32 to index
      %get3A_117 = arith.constant 0 : index
      %get3A_118 = tpu.vector_load %arg6[%get3A_115, %get3A_116, %get3A_117] {strides = array<i32>} : memref<5x128x32xf32, #tpu.memory_space<vmem>>, vector<1x1x16xf32>,
      %get3A_119 = vector.shape_cast %get3A_118 : vector<1x1x16xf32> to vector<16xf32>
      %add3A_120 = arith.addf %get3A_113, %get3A_119 : vector<16xf32>
      %get3A_121 = arith.constant 2 : i32
      %get3A_122 = arith.index_cast %get3A_121 : i32 to index
      %get3A_123 = arith.index_cast %scan3A_108 : i32 to index
      %get3A_124 = arith.constant 0 : index
      %get3A_125 = tpu.vector_load %arg6[%get3A_122, %get3A_123, %get3A_124] {strides = array<i32>} : memref<5x128x32xf32, #tpu.memory_space<vmem>>, vector<1x1x16xf32>,
      %get3A_126 = vector.shape_cast %get3A_125 : vector<1x1x16xf32> to vector<16xf32>
      %add3A_127 = arith.addf %add3A_120, %get3A_126 : vector<16xf32>
      %get3A_128 = arith.constant 3 : i32
      %get3A_129 = arith.index_cast %get3A_128 : i32 to index
      %get3A_130 = arith.index_cast %scan3A_108 : i32 to index
      %get3A_131 = arith.constant 0 : index
      %get3A_132 = tpu.vector_load %arg6[%get3A_129, %get3A_130, %get3A_131] {strides = array<i32>} : memref<5x128x32xf32, #tpu.memory_space<vmem>>, vector<1x1x16xf32>,
      %get3A_133 = vector.shape_cast %get3A_132 : vector<1x1x16xf32> to vector<16xf32>
      %add3A_134 = arith.addf %add3A_127, %get3A_133 : vector<16xf32>
      %get3A_135 = arith.constant 4 : i32
      %get3A_136 = arith.index_cast %get3A_135 : i32 to index
      %get3A_137 = arith.index_cast %scan3A_108 : i32 to index
      %get3A_138 = arith.constant 0 : index
      %get3A_139 = tpu.vector_load %arg6[%get3A_136, %get3A_137, %get3A_138] {strides = array<i32>} : memref<5x128x32xf32, #tpu.memory_space<vmem>>, vector<1x1x16xf32>,
      %get3A_140 = vector.shape_cast %get3A_139 : vector<1x1x16xf32> to vector<16xf32>
      %add3A_141 = arith.addf %add3A_134, %get3A_140 : vector<16xf32>
      %swap3A = arith.index_cast %scan3A_108 : i32 to index
      %swap3A_142 = arith.constant 0 : index
      %swap3A_143 = tpu.vector_load %arg7[%swap3A, %swap3A_142] {strides = array<i32>} : memref<128x32xf32, #tpu.memory_space<vmem>>, vector<1x16xf32>,
      %swap3A_144 = vector.shape_cast %swap3A_143 : vector<1x16xf32> to vector<16xf32>
      %swap3A_145 = vector.shape_cast %add3A_141 : vector<16xf32> to vector<1x16xf32>
      tpu.vector_store %arg7[%swap3A, %swap3A_142], %swap3A_145 {strides = array<i32>} : memref<128x32xf32, #tpu.memory_space<vmem>>, vector<1x16xf32>,
      %get3A_146 = arith.constant 0 : i32
      %get3A_147 = arith.index_cast %get3A_146 : i32 to index
      %get3A_148 = arith.index_cast %scan3A_108 : i32 to index
      %get3A_149 = arith.constant 16 : index
      %get3A_150 = tpu.vector_load %arg6[%get3A_147, %get3A_148, %get3A_149] {strides = array<i32>} : memref<5x128x32xf32, #tpu.memory_space<vmem>>, vector<1x1x16xf32>,
      %get3A_151 = vector.shape_cast %get3A_150 : vector<1x1x16xf32> to vector<16xf32>
      %get3A_152 = arith.constant 1 : i32
      %get3A_153 = arith.index_cast %get3A_152 : i32 to index
      %get3A_154 = arith.index_cast %scan3A_108 : i32 to index
      %get3A_155 = arith.constant 16 : index
      %get3A_156 = tpu.vector_load %arg6[%get3A_153, %get3A_154, %get3A_155] {strides = array<i32>} : memref<5x128x32xf32, #tpu.memory_space<vmem>>, vector<1x1x16xf32>,
      %get3A_157 = vector.shape_cast %get3A_156 : vector<1x1x16xf32> to vector<16xf32>
      %add3A_158 = arith.addf %get3A_151, %get3A_157 : vector<16xf32>
      %get3A_159 = arith.constant 2 : i32
      %get3A_160 = arith.index_cast %get3A_159 : i32 to index
      %get3A_161 = arith.index_cast %scan3A_108 : i32 to index
      %get3A_162 = arith.constant 16 : index
      %get3A_163 = tpu.vector_load %arg6[%get3A_160, %get3A_161, %get3A_162] {strides = array<i32>} : memref<5x128x32xf32, #tpu.memory_space<vmem>>, vector<1x1x16xf32>,
      %get3A_164 = vector.shape_cast %get3A_163 : vector<1x1x16xf32> to vector<16xf32>
      %add3A_165 = arith.addf %add3A_158, %get3A_164 : vector<16xf32>
      %get3A_166 = arith.constant 3 : i32
      %get3A_167 = arith.index_cast %get3A_166 : i32 to index
      %get3A_168 = arith.index_cast %scan3A_108 : i32 to index
      %get3A_169 = arith.constant 16 : index
      %get3A_170 = tpu.vector_load %arg6[%get3A_167, %get3A_168, %get3A_169] {strides = array<i32>} : memref<5x128x32xf32, #tpu.memory_space<vmem>>, vector<1x1x16xf32>,
      %get3A_171 = vector.shape_cast %get3A_170 : vector<1x1x16xf32> to vector<16xf32>
      %add3A_172 = arith.addf %add3A_165, %get3A_171 : vector<16xf32>
      %get3A_173 = arith.constant 4 : i32
      %get3A_174 = arith.index_cast %get3A_173 : i32 to index
      %get3A_175 = arith.index_cast %scan3A_108 : i32 to index
      %get3A_176 = arith.constant 16 : index
      %get3A_177 = tpu.vector_load %arg6[%get3A_174, %get3A_175, %get3A_176] {strides = array<i32>} : memref<5x128x32xf32, #tpu.memory_space<vmem>>, vector<1x1x16xf32>,
      %get3A_178 = vector.shape_cast %get3A_177 : vector<1x1x16xf32> to vector<16xf32>
      %add3A_179 = arith.addf %add3A_172, %get3A_178 : vector<16xf32>
      %swap3A_180 = arith.index_cast %scan3A_108 : i32 to index
      %swap3A_181 = arith.constant 16 : index
      %swap3A_182 = tpu.vector_load %arg7[%swap3A_180, %swap3A_181] {strides = array<i32>} : memref<128x32xf32, #tpu.memory_space<vmem>>, vector<1x16xf32>,
      %swap3A_183 = vector.shape_cast %swap3A_182 : vector<1x16xf32> to vector<16xf32>
      %swap3A_184 = vector.shape_cast %add3A_179 : vector<16xf32> to vector<1x16xf32>
      tpu.vector_store %arg7[%swap3A_180, %swap3A_181], %swap3A_184 {strides = array<i32>} : memref<128x32xf32, #tpu.memory_space<vmem>>, vector<1x16xf32>,
    }
    %scan3A_107 = arith.constant 128 : i32
    "tpu.region"() ({
      %run_scoped3A = tpu.sem_alloc : memref<!tpu.dma_semaphore, #tpu.memory_space<semaphore_mem>>
      %dma_start3A_108 = arith.constant 0 : i32
      %dma_start3A_109 = tpu.memref_slice %arg4[%mul3A_2, %dma_start3A_108] : memref<4096x32xf32, #tpu.memory_space<hbm>> -> memref<128x32xf32, #tpu.memory_space<hbm>>
      %dma_start3A_110 = arith.constant 0 : i32
      %dma_start3A_111 = tpu.memref_slice %arg4[%mul3A_2, %dma_start3A_110] : memref<4096x32xf32, #tpu.memory_space<hbm>> -> memref<128x32xf32, #tpu.memory_space<hbm>>
      tpu.enqueue_dma source(%arg7 : memref<128x32xf32, #tpu.memory_space<vmem>>) target(%dma_start3A_111 : memref<128x32xf32, #tpu.memory_space<hbm>>) target_semaphore(%run_scoped3A : memref<!tpu.dma_semaphore, #tpu.memory_space<semaphore_mem>>)
      %dma_wait3A_112 = arith.constant 0 : i32
      %dma_wait3A_113 = tpu.memref_slice %arg4[%mul3A_2, %dma_wait3A_112] : memref<4096x32xf32, #tpu.memory_space<hbm>> -> memref<128x32xf32, #tpu.memory_space<hbm>>
      %dma_wait3A_114 = arith.constant 0 : i32
      %dma_wait3A_115 = tpu.memref_slice %arg4[%mul3A_2, %dma_wait3A_114] : memref<4096x32xf32, #tpu.memory_space<hbm>> -> memref<128x32xf32, #tpu.memory_space<hbm>>
      tpu.wait_dma2 semaphore(%run_scoped3A : memref<!tpu.dma_semaphore, #tpu.memory_space<semaphore_mem>>) src(%arg7 : memref<128x32xf32, #tpu.memory_space<vmem>>) dst(%dma_wait3A_115 : memref<128x32xf32, #tpu.memory_space<hbm>>)
      tpu.yield
    }) : () -> ()
    return
  }
}

module attributes {stable_mosaic.version = 14 : i64} {
  func.func @_tc_body(%arg0: i32, %arg1: memref<1024x32xf32, #tpu.memory_space<vmem>>, %arg2: memref<4096x32xf32, #tpu.memory_space<vmem>>, %arg3: memref<32x32xf32, #tpu.memory_space<vmem>>, %arg4: memref<1x32xf32, #tpu.memory_space<vmem>>, %arg5: memref<32x32xf32, #tpu.memory_space<vmem>>, %arg6: memref<1x32xf32, #tpu.memory_space<vmem>>, %arg7: memref<20480xi32, #tpu.memory_space<vmem>>, %arg8: memref<1024x32xf32, #tpu.memory_space<vmem>>) attributes {dimension_semantics = [#tpu.dimension_semantics<arbitrary>], iteration_bounds = array<i64: 4>, scalar_prefetch = 0 : i64, scratch_operands = 0 : i64, tpu.core_type = #tpu.core_type<tc>, window_params = [{transform_indices = @transform_0, window_bounds = array<i64: 1024, 32>}, {pipeline_mode = #tpu.pipeline_mode<synchronous>, transform_indices = @transform_1, window_bounds = array<i64: 4096, 32>}, {pipeline_mode = #tpu.pipeline_mode<synchronous>, transform_indices = @transform_2, window_bounds = array<i64: 32, 32>}, {pipeline_mode = #tpu.pipeline_mode<synchronous>, transform_indices = @transform_3, window_bounds = array<i64: 1, 32>}, {pipeline_mode = #tpu.pipeline_mode<synchronous>, transform_indices = @transform_4, window_bounds = array<i64: 32, 32>}, {pipeline_mode = #tpu.pipeline_mode<synchronous>, transform_indices = @transform_5, window_bounds = array<i64: 1, 32>}, {pipeline_mode = #tpu.pipeline_mode<synchronous>, transform_indices = @transform_6, window_bounds = array<i64: 20480>}, {transform_indices = @transform_7, window_bounds = array<i64: 1024, 32>}]} {
    %get3A = arith.constant 0 : index
    %get3A_0 = arith.constant 0 : index
    %get3A_1 = vector.load %arg1[%get3A, %get3A_0] : memref<1024x32xf32, #tpu.memory_space<vmem>>, vector<1024x32xf32>
    %get3A_2 = arith.constant 0 : index
    %get3A_3 = arith.constant 0 : index
    %get3A_4 = vector.load %arg2[%get3A_2, %get3A_3] : memref<4096x32xf32, #tpu.memory_space<vmem>>, vector<4096x32xf32>
    %get3A_5 = arith.constant 0 : index
    %get3A_6 = arith.constant 0 : index
    %get3A_7 = vector.load %arg3[%get3A_5, %get3A_6] : memref<32x32xf32, #tpu.memory_space<vmem>>, vector<32x32xf32>
    %dot_general3A = arith.constant dense<0.000000e+00> : vector<1024x32xf32>
    %dot_general3A_8 = tpu.matmul %get3A_1, %get3A_7, %dot_general3A {dimension_numbers = #tpu.dot_dimension_numbers<[1], [1], [0], [0], [0, 0, 1, 0], [], []>, transpose_lhs_hint = false} : vector<1024x32xf32>, vector<32x32xf32>, vector<1024x32xf32> -> vector<1024x32xf32>
    %get3A_9 = arith.constant 0 : index
    %get3A_10 = arith.constant 0 : index
    %get3A_11 = vector.load %arg4[%get3A_9, %get3A_10] : memref<1x32xf32, #tpu.memory_space<vmem>>, vector<1x32xf32>
    %add3A = vector.broadcast %get3A_11 : vector<1x32xf32> to vector<1024x32xf32>
    %add3A_12 = arith.addf %dot_general3A_8, %add3A : vector<1024x32xf32>
    %max3A = arith.constant 0.000000e+00 : f32
    %max3A_13 = vector.broadcast %max3A : f32 to vector<1024x32xf32>
    %max3A_14 = arith.maximumf %add3A_12, %max3A_13 : vector<1024x32xf32>
    %get3A_15 = arith.constant 0 : index
    %get3A_16 = arith.constant 0 : index
    %get3A_17 = vector.load %arg5[%get3A_15, %get3A_16] : memref<32x32xf32, #tpu.memory_space<vmem>>, vector<32x32xf32>
    %dot_general3A_18 = arith.constant dense<0.000000e+00> : vector<1024x32xf32>
    %dot_general3A_19 = tpu.matmul %max3A_14, %get3A_17, %dot_general3A_18 {dimension_numbers = #tpu.dot_dimension_numbers<[1], [1], [0], [0], [0, 0, 1, 0], [], []>, transpose_lhs_hint = false} : vector<1024x32xf32>, vector<32x32xf32>, vector<1024x32xf32> -> vector<1024x32xf32>
    %mul3A = arith.constant 2.000000e-01 : f32
    %mul3A_20 = vector.broadcast %mul3A : f32 to vector<1024x32xf32>
    %mul3A_21 = arith.mulf %dot_general3A_19, %mul3A_20 : vector<1024x32xf32>
    %get3A_22 = arith.constant 0 : index
    %get3A_23 = arith.constant 0 : index
    %get3A_24 = vector.load %arg6[%get3A_22, %get3A_23] : memref<1x32xf32, #tpu.memory_space<vmem>>, vector<1x32xf32>
    %mul3A_25 = arith.constant 2.000000e-01 : f32
    %mul3A_26 = vector.broadcast %mul3A_25 : f32 to vector<1x32xf32>
    %mul3A_27 = arith.mulf %get3A_24, %mul3A_26 : vector<1x32xf32>
    %add3A_28 = vector.broadcast %mul3A_27 : vector<1x32xf32> to vector<1024x32xf32>
    %add3A_29 = arith.addf %mul3A_21, %add3A_28 : vector<1024x32xf32>
    %swap3A = arith.constant 0 : index
    %swap3A_30 = arith.constant 0 : index
    %swap3A_31 = vector.load %arg8[%swap3A, %swap3A_30] : memref<1024x32xf32, #tpu.memory_space<vmem>>, vector<1024x32xf32>
    tpu.vector_store %arg8[%swap3A, %swap3A_30], %add3A_29 {strides = array<i32>} : memref<1024x32xf32, #tpu.memory_space<vmem>>, vector<1024x32xf32>,
    %mul3A_32 = arith.mulf %get3A_1, %get3A_1 : vector<1024x32xf32>
    %reduce_sum3A = arith.constant dense<0.000000e+00> : vector<1024xf32>
    %reduce_sum3A_33 = vector.multi_reduction <add>, %mul3A_32, %reduce_sum3A [1] : vector<1024x32xf32> to vector<1024xf32>
    %mul3A_34 = arith.mulf %get3A_4, %get3A_4 : vector<4096x32xf32>
    %reduce_sum3A_35 = arith.constant dense<0.000000e+00> : vector<4096xf32>
    %reduce_sum3A_36 = vector.multi_reduction <add>, %mul3A_34, %reduce_sum3A_35 [1] : vector<4096x32xf32> to vector<4096xf32>
    %dot_general3A_37 = arith.constant dense<0.000000e+00> : vector<1024x4096xf32>
    %dot_general3A_38 = tpu.matmul %get3A_1, %get3A_4, %dot_general3A_37 {dimension_numbers = #tpu.dot_dimension_numbers<[1], [1], [0], [0], [0, 0, 1, 0], [], []>, transpose_lhs_hint = false} : vector<1024x32xf32>, vector<4096x32xf32>, vector<1024x4096xf32> -> vector<1024x4096xf32>
    %broadcast_in_dim3A = vector.shape_cast %reduce_sum3A_33 : vector<1024xf32> to vector<1024x1xf32>
    %broadcast_in_dim3A_39 = vector.shape_cast %reduce_sum3A_36 : vector<4096xf32> to vector<1x4096xf32>
    %add3A_40 = vector.broadcast %broadcast_in_dim3A : vector<1024x1xf32> to vector<1024x4096xf32>
    %add3A_41 = vector.broadcast %broadcast_in_dim3A_39 : vector<1x4096xf32> to vector<1024x4096xf32>
    %add3A_42 = arith.addf %add3A_40, %add3A_41 : vector<1024x4096xf32>
    %mul3A_43 = arith.constant 2.000000e+00 : f32
    %mul3A_44 = vector.broadcast %mul3A_43 : f32 to vector<1024x4096xf32>
    %mul3A_45 = arith.mulf %mul3A_44, %dot_general3A_38 : vector<1024x4096xf32>
    %sub3A = arith.subf %add3A_42, %mul3A_45 : vector<1024x4096xf32>
    %max3A_46 = arith.constant 0.000000e+00 : f32
    %max3A_47 = vector.broadcast %max3A_46 : f32 to vector<1024x4096xf32>
    %max3A_48 = arith.maximumf %sub3A, %max3A_47 : vector<1024x4096xf32>
    %iota3A = tpu.iota {dimensions = array<i32: 1>} : vector<1024x4096xi32>
    %mul3A_49 = arith.constant 1024 : i32
    %mul3A_50 = arith.muli %arg0, %mul3A_49 : i32
    %iota3A_51 = tpu.iota {dimensions = array<i32: 1>} : vector<1x1024xi32>
    %iota3A_52 = vector.shape_cast %iota3A_51 : vector<1x1024xi32> to vector<1024xi32>
    %add3A_53 = vector.broadcast %mul3A_50 : i32 to vector<1024xi32>
    %add3A_54 = arith.addi %add3A_53, %iota3A_52 : vector<1024xi32>
    %mul3A_55 = arith.constant 8 : i32
    %mul3A_56 = arith.muli %arg0, %mul3A_55 : i32
    %add3A_57 = arith.constant 0 : i32
    %add3A_58 = arith.addi %mul3A_56, %add3A_57 : i32
    %mul3A_59 = arith.constant 640 : i32
    %mul3A_60 = arith.muli %add3A_58, %mul3A_59 : i32
    %add3A_61 = arith.constant 0 : i32
    %add3A_62 = arith.addi %mul3A_60, %add3A_61 : i32
    %slice3A = vector.extract_strided_slice %add3A_54 {offsets = [0], sizes = [128], strides = [1]} : vector<1024xi32> to vector<128xi32>
    %swap3A_63 = arith.index_cast %add3A_62 : i32 to index
    %swap3A_64 = vector.load %arg7[%swap3A_63] : memref<20480xi32, #tpu.memory_space<vmem>>, vector<128xi32>
    tpu.vector_store %arg7[%swap3A_63], %slice3A {strides = array<i32>} : memref<20480xi32, #tpu.memory_space<vmem>>, vector<128xi32>,
    %mul3A_65 = arith.constant 8 : i32
    %mul3A_66 = arith.muli %arg0, %mul3A_65 : i32
    %add3A_67 = arith.constant 1 : i32
    %add3A_68 = arith.addi %mul3A_66, %add3A_67 : i32
    %mul3A_69 = arith.constant 640 : i32
    %mul3A_70 = arith.muli %add3A_68, %mul3A_69 : i32
    %add3A_71 = arith.constant 0 : i32
    %add3A_72 = arith.addi %mul3A_70, %add3A_71 : i32
    %slice3A_73 = vector.extract_strided_slice %add3A_54 {offsets = [128], sizes = [128], strides = [1]} : vector<1024xi32> to vector<128xi32>
    %swap3A_74 = arith.index_cast %add3A_72 : i32 to index
    %swap3A_75 = vector.load %arg7[%swap3A_74] : memref<20480xi32, #tpu.memory_space<vmem>>, vector<128xi32>
    tpu.vector_store %arg7[%swap3A_74], %slice3A_73 {strides = array<i32>} : memref<20480xi32, #tpu.memory_space<vmem>>, vector<128xi32>,
    %mul3A_76 = arith.constant 8 : i32
    %mul3A_77 = arith.muli %arg0, %mul3A_76 : i32
    %add3A_78 = arith.constant 2 : i32
    %add3A_79 = arith.addi %mul3A_77, %add3A_78 : i32
    %mul3A_80 = arith.constant 640 : i32
    %mul3A_81 = arith.muli %add3A_79, %mul3A_80 : i32
    %add3A_82 = arith.constant 0 : i32
    %add3A_83 = arith.addi %mul3A_81, %add3A_82 : i32
    %slice3A_84 = vector.extract_strided_slice %add3A_54 {offsets = [256], sizes = [128], strides = [1]} : vector<1024xi32> to vector<128xi32>
    %swap3A_85 = arith.index_cast %add3A_83 : i32 to index
    %swap3A_86 = vector.load %arg7[%swap3A_85] : memref<20480xi32, #tpu.memory_space<vmem>>, vector<128xi32>
    tpu.vector_store %arg7[%swap3A_85], %slice3A_84 {strides = array<i32>} : memref<20480xi32, #tpu.memory_space<vmem>>, vector<128xi32>,
    %mul3A_87 = arith.constant 8 : i32
    %mul3A_88 = arith.muli %arg0, %mul3A_87 : i32
    %add3A_89 = arith.constant 3 : i32
    %add3A_90 = arith.addi %mul3A_88, %add3A_89 : i32
    %mul3A_91 = arith.constant 640 : i32
    %mul3A_92 = arith.muli %add3A_90, %mul3A_91 : i32
    %add3A_93 = arith.constant 0 : i32
    %add3A_94 = arith.addi %mul3A_92, %add3A_93 : i32
    %slice3A_95 = vector.extract_strided_slice %add3A_54 {offsets = [384], sizes = [128], strides = [1]} : vector<1024xi32> to vector<128xi32>
    %swap3A_96 = arith.index_cast %add3A_94 : i32 to index
    %swap3A_97 = vector.load %arg7[%swap3A_96] : memref<20480xi32, #tpu.memory_space<vmem>>, vector<128xi32>
    tpu.vector_store %arg7[%swap3A_96], %slice3A_95 {strides = array<i32>} : memref<20480xi32, #tpu.memory_space<vmem>>, vector<128xi32>,
    %mul3A_98 = arith.constant 8 : i32
    %mul3A_99 = arith.muli %arg0, %mul3A_98 : i32
    %add3A_100 = arith.constant 4 : i32
    %add3A_101 = arith.addi %mul3A_99, %add3A_100 : i32
    %mul3A_102 = arith.constant 640 : i32
    %mul3A_103 = arith.muli %add3A_101, %mul3A_102 : i32
    %add3A_104 = arith.constant 0 : i32
    %add3A_105 = arith.addi %mul3A_103, %add3A_104 : i32
    %slice3A_106 = vector.extract_strided_slice %add3A_54 {offsets = [512], sizes = [128], strides = [1]} : vector<1024xi32> to vector<128xi32>
    %swap3A_107 = arith.index_cast %add3A_105 : i32 to index
    %swap3A_108 = vector.load %arg7[%swap3A_107] : memref<20480xi32, #tpu.memory_space<vmem>>, vector<128xi32>
    tpu.vector_store %arg7[%swap3A_107], %slice3A_106 {strides = array<i32>} : memref<20480xi32, #tpu.memory_space<vmem>>, vector<128xi32>,
    %mul3A_109 = arith.constant 8 : i32
    %mul3A_110 = arith.muli %arg0, %mul3A_109 : i32
    %add3A_111 = arith.constant 5 : i32
    %add3A_112 = arith.addi %mul3A_110, %add3A_111 : i32
    %mul3A_113 = arith.constant 640 : i32
    %mul3A_114 = arith.muli %add3A_112, %mul3A_113 : i32
    %add3A_115 = arith.constant 0 : i32
    %add3A_116 = arith.addi %mul3A_114, %add3A_115 : i32
    %slice3A_117 = vector.extract_strided_slice %add3A_54 {offsets = [640], sizes = [128], strides = [1]} : vector<1024xi32> to vector<128xi32>
    %swap3A_118 = arith.index_cast %add3A_116 : i32 to index
    %swap3A_119 = vector.load %arg7[%swap3A_118] : memref<20480xi32, #tpu.memory_space<vmem>>, vector<128xi32>
    tpu.vector_store %arg7[%swap3A_118], %slice3A_117 {strides = array<i32>} : memref<20480xi32, #tpu.memory_space<vmem>>, vector<128xi32>,
    %mul3A_120 = arith.constant 8 : i32
    %mul3A_121 = arith.muli %arg0, %mul3A_120 : i32
    %add3A_122 = arith.constant 6 : i32
    %add3A_123 = arith.addi %mul3A_121, %add3A_122 : i32
    %mul3A_124 = arith.constant 640 : i32
    %mul3A_125 = arith.muli %add3A_123, %mul3A_124 : i32
    %add3A_126 = arith.constant 0 : i32
    %add3A_127 = arith.addi %mul3A_125, %add3A_126 : i32
    %slice3A_128 = vector.extract_strided_slice %add3A_54 {offsets = [768], sizes = [128], strides = [1]} : vector<1024xi32> to vector<128xi32>
    %swap3A_129 = arith.index_cast %add3A_127 : i32 to index
    %swap3A_130 = vector.load %arg7[%swap3A_129] : memref<20480xi32, #tpu.memory_space<vmem>>, vector<128xi32>
    tpu.vector_store %arg7[%swap3A_129], %slice3A_128 {strides = array<i32>} : memref<20480xi32, #tpu.memory_space<vmem>>, vector<128xi32>,
    %mul3A_131 = arith.constant 8 : i32
    %mul3A_132 = arith.muli %arg0, %mul3A_131 : i32
    %add3A_133 = arith.constant 7 : i32
    %add3A_134 = arith.addi %mul3A_132, %add3A_133 : i32
    %mul3A_135 = arith.constant 640 : i32
    %mul3A_136 = arith.muli %add3A_134, %mul3A_135 : i32
    %add3A_137 = arith.constant 0 : i32
    %add3A_138 = arith.addi %mul3A_136, %add3A_137 : i32
    %slice3A_139 = vector.extract_strided_slice %add3A_54 {offsets = [896], sizes = [128], strides = [1]} : vector<1024xi32> to vector<128xi32>
    %swap3A_140 = arith.index_cast %add3A_138 : i32 to index
    %swap3A_141 = vector.load %arg7[%swap3A_140] : memref<20480xi32, #tpu.memory_space<vmem>>, vector<128xi32>
    tpu.vector_store %arg7[%swap3A_140], %slice3A_139 {strides = array<i32>} : memref<20480xi32, #tpu.memory_space<vmem>>, vector<128xi32>,
    %broadcast_in_dim3A_142 = vector.shape_cast %add3A_54 : vector<1024xi32> to vector<1024x1xi32>
    %eq3A = vector.broadcast %broadcast_in_dim3A_142 : vector<1024x1xi32> to vector<1024x4096xi32>
    %eq3A_143 = arith.cmpi eq, %iota3A, %eq3A : vector<1024x4096xi32>
    %jit3A = arith.constant 0x7F800000 : f32
    %broadcast_in_dim3A_144 = vector.broadcast %jit3A : f32 to vector<1024x4096xf32>
    %select_n3A = arith.select %eq3A_143, %broadcast_in_dim3A_144, %max3A_48 : vector<1024x4096xi1>, vector<1024x4096xf32>
    %argmin3A = tpu.reduce_index %select_n3A {axis = 1 : i32, kind = #tpu.reduction_kind<arg_min>} : vector<1024x4096xf32> -> vector<1024xi32>
    %mul3A_145 = arith.constant 8 : i32
    %mul3A_146 = arith.muli %arg0, %mul3A_145 : i32
    %add3A_147 = arith.constant 0 : i32
    %add3A_148 = arith.addi %mul3A_146, %add3A_147 : i32
    %mul3A_149 = arith.constant 640 : i32
    %mul3A_150 = arith.muli %add3A_148, %mul3A_149 : i32
    %add3A_151 = arith.constant 128 : i32
    %add3A_152 = arith.addi %mul3A_150, %add3A_151 : i32
    %slice3A_153 = vector.extract_strided_slice %argmin3A {offsets = [0], sizes = [128], strides = [1]} : vector<1024xi32> to vector<128xi32>
    %swap3A_154 = arith.index_cast %add3A_152 : i32 to index
    %swap3A_155 = vector.load %arg7[%swap3A_154] : memref<20480xi32, #tpu.memory_space<vmem>>, vector<128xi32>
    tpu.vector_store %arg7[%swap3A_154], %slice3A_153 {strides = array<i32>} : memref<20480xi32, #tpu.memory_space<vmem>>, vector<128xi32>,
    %mul3A_156 = arith.constant 8 : i32
    %mul3A_157 = arith.muli %arg0, %mul3A_156 : i32
    %add3A_158 = arith.constant 1 : i32
    %add3A_159 = arith.addi %mul3A_157, %add3A_158 : i32
    %mul3A_160 = arith.constant 640 : i32
    %mul3A_161 = arith.muli %add3A_159, %mul3A_160 : i32
    %add3A_162 = arith.constant 128 : i32
    %add3A_163 = arith.addi %mul3A_161, %add3A_162 : i32
    %slice3A_164 = vector.extract_strided_slice %argmin3A {offsets = [128], sizes = [128], strides = [1]} : vector<1024xi32> to vector<128xi32>
    %swap3A_165 = arith.index_cast %add3A_163 : i32 to index
    %swap3A_166 = vector.load %arg7[%swap3A_165] : memref<20480xi32, #tpu.memory_space<vmem>>, vector<128xi32>
    tpu.vector_store %arg7[%swap3A_165], %slice3A_164 {strides = array<i32>} : memref<20480xi32, #tpu.memory_space<vmem>>, vector<128xi32>,
    %mul3A_167 = arith.constant 8 : i32
    %mul3A_168 = arith.muli %arg0, %mul3A_167 : i32
    %add3A_169 = arith.constant 2 : i32
    %add3A_170 = arith.addi %mul3A_168, %add3A_169 : i32
    %mul3A_171 = arith.constant 640 : i32
    %mul3A_172 = arith.muli %add3A_170, %mul3A_171 : i32
    %add3A_173 = arith.constant 128 : i32
    %add3A_174 = arith.addi %mul3A_172, %add3A_173 : i32
    %slice3A_175 = vector.extract_strided_slice %argmin3A {offsets = [256], sizes = [128], strides = [1]} : vector<1024xi32> to vector<128xi32>
    %swap3A_176 = arith.index_cast %add3A_174 : i32 to index
    %swap3A_177 = vector.load %arg7[%swap3A_176] : memref<20480xi32, #tpu.memory_space<vmem>>, vector<128xi32>
    tpu.vector_store %arg7[%swap3A_176], %slice3A_175 {strides = array<i32>} : memref<20480xi32, #tpu.memory_space<vmem>>, vector<128xi32>,
    %mul3A_178 = arith.constant 8 : i32
    %mul3A_179 = arith.muli %arg0, %mul3A_178 : i32
    %add3A_180 = arith.constant 3 : i32
    %add3A_181 = arith.addi %mul3A_179, %add3A_180 : i32
    %mul3A_182 = arith.constant 640 : i32
    %mul3A_183 = arith.muli %add3A_181, %mul3A_182 : i32
    %add3A_184 = arith.constant 128 : i32
    %add3A_185 = arith.addi %mul3A_183, %add3A_184 : i32
    %slice3A_186 = vector.extract_strided_slice %argmin3A {offsets = [384], sizes = [128], strides = [1]} : vector<1024xi32> to vector<128xi32>
    %swap3A_187 = arith.index_cast %add3A_185 : i32 to index
    %swap3A_188 = vector.load %arg7[%swap3A_187] : memref<20480xi32, #tpu.memory_space<vmem>>, vector<128xi32>
    tpu.vector_store %arg7[%swap3A_187], %slice3A_186 {strides = array<i32>} : memref<20480xi32, #tpu.memory_space<vmem>>, vector<128xi32>,
    %mul3A_189 = arith.constant 8 : i32
    %mul3A_190 = arith.muli %arg0, %mul3A_189 : i32
    %add3A_191 = arith.constant 4 : i32
    %add3A_192 = arith.addi %mul3A_190, %add3A_191 : i32
    %mul3A_193 = arith.constant 640 : i32
    %mul3A_194 = arith.muli %add3A_192, %mul3A_193 : i32
    %add3A_195 = arith.constant 128 : i32
    %add3A_196 = arith.addi %mul3A_194, %add3A_195 : i32
    %slice3A_197 = vector.extract_strided_slice %argmin3A {offsets = [512], sizes = [128], strides = [1]} : vector<1024xi32> to vector<128xi32>
    %swap3A_198 = arith.index_cast %add3A_196 : i32 to index
    %swap3A_199 = vector.load %arg7[%swap3A_198] : memref<20480xi32, #tpu.memory_space<vmem>>, vector<128xi32>
    tpu.vector_store %arg7[%swap3A_198], %slice3A_197 {strides = array<i32>} : memref<20480xi32, #tpu.memory_space<vmem>>, vector<128xi32>,
    %mul3A_200 = arith.constant 8 : i32
    %mul3A_201 = arith.muli %arg0, %mul3A_200 : i32
    %add3A_202 = arith.constant 5 : i32
    %add3A_203 = arith.addi %mul3A_201, %add3A_202 : i32
    %mul3A_204 = arith.constant 640 : i32
    %mul3A_205 = arith.muli %add3A_203, %mul3A_204 : i32
    %add3A_206 = arith.constant 128 : i32
    %add3A_207 = arith.addi %mul3A_205, %add3A_206 : i32
    %slice3A_208 = vector.extract_strided_slice %argmin3A {offsets = [640], sizes = [128], strides = [1]} : vector<1024xi32> to vector<128xi32>
    %swap3A_209 = arith.index_cast %add3A_207 : i32 to index
    %swap3A_210 = vector.load %arg7[%swap3A_209] : memref<20480xi32, #tpu.memory_space<vmem>>, vector<128xi32>
    tpu.vector_store %arg7[%swap3A_209], %slice3A_208 {strides = array<i32>} : memref<20480xi32, #tpu.memory_space<vmem>>, vector<128xi32>,
    %mul3A_211 = arith.constant 8 : i32
    %mul3A_212 = arith.muli %arg0, %mul3A_211 : i32
    %add3A_213 = arith.constant 6 : i32
    %add3A_214 = arith.addi %mul3A_212, %add3A_213 : i32
    %mul3A_215 = arith.constant 640 : i32
    %mul3A_216 = arith.muli %add3A_214, %mul3A_215 : i32
    %add3A_217 = arith.constant 128 : i32
    %add3A_218 = arith.addi %mul3A_216, %add3A_217 : i32
    %slice3A_219 = vector.extract_strided_slice %argmin3A {offsets = [768], sizes = [128], strides = [1]} : vector<1024xi32> to vector<128xi32>
    %swap3A_220 = arith.index_cast %add3A_218 : i32 to index
    %swap3A_221 = vector.load %arg7[%swap3A_220] : memref<20480xi32, #tpu.memory_space<vmem>>, vector<128xi32>
    tpu.vector_store %arg7[%swap3A_220], %slice3A_219 {strides = array<i32>} : memref<20480xi32, #tpu.memory_space<vmem>>, vector<128xi32>,
    %mul3A_222 = arith.constant 8 : i32
    %mul3A_223 = arith.muli %arg0, %mul3A_222 : i32
    %add3A_224 = arith.constant 7 : i32
    %add3A_225 = arith.addi %mul3A_223, %add3A_224 : i32
    %mul3A_226 = arith.constant 640 : i32
    %mul3A_227 = arith.muli %add3A_225, %mul3A_226 : i32
    %add3A_228 = arith.constant 128 : i32
    %add3A_229 = arith.addi %mul3A_227, %add3A_228 : i32
    %slice3A_230 = vector.extract_strided_slice %argmin3A {offsets = [896], sizes = [128], strides = [1]} : vector<1024xi32> to vector<128xi32>
    %swap3A_231 = arith.index_cast %add3A_229 : i32 to index
    %swap3A_232 = vector.load %arg7[%swap3A_231] : memref<20480xi32, #tpu.memory_space<vmem>>, vector<128xi32>
    tpu.vector_store %arg7[%swap3A_231], %slice3A_230 {strides = array<i32>} : memref<20480xi32, #tpu.memory_space<vmem>>, vector<128xi32>,
    %broadcast_in_dim3A_233 = vector.shape_cast %argmin3A : vector<1024xi32> to vector<1024x1xi32>
    %eq3A_234 = vector.broadcast %broadcast_in_dim3A_233 : vector<1024x1xi32> to vector<1024x4096xi32>
    %eq3A_235 = arith.cmpi eq, %iota3A, %eq3A_234 : vector<1024x4096xi32>
    %jit3A_236 = arith.constant 0x7F800000 : f32
    %broadcast_in_dim3A_237 = vector.broadcast %jit3A_236 : f32 to vector<1024x4096xf32>
    %select_n3A_238 = arith.select %eq3A_235, %broadcast_in_dim3A_237, %select_n3A : vector<1024x4096xi1>, vector<1024x4096xf32>
    %argmin3A_239 = tpu.reduce_index %select_n3A_238 {axis = 1 : i32, kind = #tpu.reduction_kind<arg_min>} : vector<1024x4096xf32> -> vector<1024xi32>
    %mul3A_240 = arith.constant 8 : i32
    %mul3A_241 = arith.muli %arg0, %mul3A_240 : i32
    %add3A_242 = arith.constant 0 : i32
    %add3A_243 = arith.addi %mul3A_241, %add3A_242 : i32
    %mul3A_244 = arith.constant 640 : i32
    %mul3A_245 = arith.muli %add3A_243, %mul3A_244 : i32
    %add3A_246 = arith.constant 256 : i32
    %add3A_247 = arith.addi %mul3A_245, %add3A_246 : i32
    %slice3A_248 = vector.extract_strided_slice %argmin3A_239 {offsets = [0], sizes = [128], strides = [1]} : vector<1024xi32> to vector<128xi32>
    %swap3A_249 = arith.index_cast %add3A_247 : i32 to index
    %swap3A_250 = vector.load %arg7[%swap3A_249] : memref<20480xi32, #tpu.memory_space<vmem>>, vector<128xi32>
    tpu.vector_store %arg7[%swap3A_249], %slice3A_248 {strides = array<i32>} : memref<20480xi32, #tpu.memory_space<vmem>>, vector<128xi32>,
    %mul3A_251 = arith.constant 8 : i32
    %mul3A_252 = arith.muli %arg0, %mul3A_251 : i32
    %add3A_253 = arith.constant 1 : i32
    %add3A_254 = arith.addi %mul3A_252, %add3A_253 : i32
    %mul3A_255 = arith.constant 640 : i32
    %mul3A_256 = arith.muli %add3A_254, %mul3A_255 : i32
    %add3A_257 = arith.constant 256 : i32
    %add3A_258 = arith.addi %mul3A_256, %add3A_257 : i32
    %slice3A_259 = vector.extract_strided_slice %argmin3A_239 {offsets = [128], sizes = [128], strides = [1]} : vector<1024xi32> to vector<128xi32>
    %swap3A_260 = arith.index_cast %add3A_258 : i32 to index
    %swap3A_261 = vector.load %arg7[%swap3A_260] : memref<20480xi32, #tpu.memory_space<vmem>>, vector<128xi32>
    tpu.vector_store %arg7[%swap3A_260], %slice3A_259 {strides = array<i32>} : memref<20480xi32, #tpu.memory_space<vmem>>, vector<128xi32>,
    %mul3A_262 = arith.constant 8 : i32
    %mul3A_263 = arith.muli %arg0, %mul3A_262 : i32
    %add3A_264 = arith.constant 2 : i32
    %add3A_265 = arith.addi %mul3A_263, %add3A_264 : i32
    %mul3A_266 = arith.constant 640 : i32
    %mul3A_267 = arith.muli %add3A_265, %mul3A_266 : i32
    %add3A_268 = arith.constant 256 : i32
    %add3A_269 = arith.addi %mul3A_267, %add3A_268 : i32
    %slice3A_270 = vector.extract_strided_slice %argmin3A_239 {offsets = [256], sizes = [128], strides = [1]} : vector<1024xi32> to vector<128xi32>
    %swap3A_271 = arith.index_cast %add3A_269 : i32 to index
    %swap3A_272 = vector.load %arg7[%swap3A_271] : memref<20480xi32, #tpu.memory_space<vmem>>, vector<128xi32>
    tpu.vector_store %arg7[%swap3A_271], %slice3A_270 {strides = array<i32>} : memref<20480xi32, #tpu.memory_space<vmem>>, vector<128xi32>,
    %mul3A_273 = arith.constant 8 : i32
    %mul3A_274 = arith.muli %arg0, %mul3A_273 : i32
    %add3A_275 = arith.constant 3 : i32
    %add3A_276 = arith.addi %mul3A_274, %add3A_275 : i32
    %mul3A_277 = arith.constant 640 : i32
    %mul3A_278 = arith.muli %add3A_276, %mul3A_277 : i32
    %add3A_279 = arith.constant 256 : i32
    %add3A_280 = arith.addi %mul3A_278, %add3A_279 : i32
    %slice3A_281 = vector.extract_strided_slice %argmin3A_239 {offsets = [384], sizes = [128], strides = [1]} : vector<1024xi32> to vector<128xi32>
    %swap3A_282 = arith.index_cast %add3A_280 : i32 to index
    %swap3A_283 = vector.load %arg7[%swap3A_282] : memref<20480xi32, #tpu.memory_space<vmem>>, vector<128xi32>
    tpu.vector_store %arg7[%swap3A_282], %slice3A_281 {strides = array<i32>} : memref<20480xi32, #tpu.memory_space<vmem>>, vector<128xi32>,
    %mul3A_284 = arith.constant 8 : i32
    %mul3A_285 = arith.muli %arg0, %mul3A_284 : i32
    %add3A_286 = arith.constant 4 : i32
    %add3A_287 = arith.addi %mul3A_285, %add3A_286 : i32
    %mul3A_288 = arith.constant 640 : i32
    %mul3A_289 = arith.muli %add3A_287, %mul3A_288 : i32
    %add3A_290 = arith.constant 256 : i32
    %add3A_291 = arith.addi %mul3A_289, %add3A_290 : i32
    %slice3A_292 = vector.extract_strided_slice %argmin3A_239 {offsets = [512], sizes = [128], strides = [1]} : vector<1024xi32> to vector<128xi32>
    %swap3A_293 = arith.index_cast %add3A_291 : i32 to index
    %swap3A_294 = vector.load %arg7[%swap3A_293] : memref<20480xi32, #tpu.memory_space<vmem>>, vector<128xi32>
    tpu.vector_store %arg7[%swap3A_293], %slice3A_292 {strides = array<i32>} : memref<20480xi32, #tpu.memory_space<vmem>>, vector<128xi32>,
    %mul3A_295 = arith.constant 8 : i32
    %mul3A_296 = arith.muli %arg0, %mul3A_295 : i32
    %add3A_297 = arith.constant 5 : i32
    %add3A_298 = arith.addi %mul3A_296, %add3A_297 : i32
    %mul3A_299 = arith.constant 640 : i32
    %mul3A_300 = arith.muli %add3A_298, %mul3A_299 : i32
    %add3A_301 = arith.constant 256 : i32
    %add3A_302 = arith.addi %mul3A_300, %add3A_301 : i32
    %slice3A_303 = vector.extract_strided_slice %argmin3A_239 {offsets = [640], sizes = [128], strides = [1]} : vector<1024xi32> to vector<128xi32>
    %swap3A_304 = arith.index_cast %add3A_302 : i32 to index
    %swap3A_305 = vector.load %arg7[%swap3A_304] : memref<20480xi32, #tpu.memory_space<vmem>>, vector<128xi32>
    tpu.vector_store %arg7[%swap3A_304], %slice3A_303 {strides = array<i32>} : memref<20480xi32, #tpu.memory_space<vmem>>, vector<128xi32>,
    %mul3A_306 = arith.constant 8 : i32
    %mul3A_307 = arith.muli %arg0, %mul3A_306 : i32
    %add3A_308 = arith.constant 6 : i32
    %add3A_309 = arith.addi %mul3A_307, %add3A_308 : i32
    %mul3A_310 = arith.constant 640 : i32
    %mul3A_311 = arith.muli %add3A_309, %mul3A_310 : i32
    %add3A_312 = arith.constant 256 : i32
    %add3A_313 = arith.addi %mul3A_311, %add3A_312 : i32
    %slice3A_314 = vector.extract_strided_slice %argmin3A_239 {offsets = [768], sizes = [128], strides = [1]} : vector<1024xi32> to vector<128xi32>
    %swap3A_315 = arith.index_cast %add3A_313 : i32 to index
    %swap3A_316 = vector.load %arg7[%swap3A_315] : memref<20480xi32, #tpu.memory_space<vmem>>, vector<128xi32>
    tpu.vector_store %arg7[%swap3A_315], %slice3A_314 {strides = array<i32>} : memref<20480xi32, #tpu.memory_space<vmem>>, vector<128xi32>,
    %mul3A_317 = arith.constant 8 : i32
    %mul3A_318 = arith.muli %arg0, %mul3A_317 : i32
    %add3A_319 = arith.constant 7 : i32
    %add3A_320 = arith.addi %mul3A_318, %add3A_319 : i32
    %mul3A_321 = arith.constant 640 : i32
    %mul3A_322 = arith.muli %add3A_320, %mul3A_321 : i32
    %add3A_323 = arith.constant 256 : i32
    %add3A_324 = arith.addi %mul3A_322, %add3A_323 : i32
    %slice3A_325 = vector.extract_strided_slice %argmin3A_239 {offsets = [896], sizes = [128], strides = [1]} : vector<1024xi32> to vector<128xi32>
    %swap3A_326 = arith.index_cast %add3A_324 : i32 to index
    %swap3A_327 = vector.load %arg7[%swap3A_326] : memref<20480xi32, #tpu.memory_space<vmem>>, vector<128xi32>
    tpu.vector_store %arg7[%swap3A_326], %slice3A_325 {strides = array<i32>} : memref<20480xi32, #tpu.memory_space<vmem>>, vector<128xi32>,
    %broadcast_in_dim3A_328 = vector.shape_cast %argmin3A_239 : vector<1024xi32> to vector<1024x1xi32>
    %eq3A_329 = vector.broadcast %broadcast_in_dim3A_328 : vector<1024x1xi32> to vector<1024x4096xi32>
    %eq3A_330 = arith.cmpi eq, %iota3A, %eq3A_329 : vector<1024x4096xi32>
    %jit3A_331 = arith.constant 0x7F800000 : f32
    %broadcast_in_dim3A_332 = vector.broadcast %jit3A_331 : f32 to vector<1024x4096xf32>
    %select_n3A_333 = arith.select %eq3A_330, %broadcast_in_dim3A_332, %select_n3A_238 : vector<1024x4096xi1>, vector<1024x4096xf32>
    %argmin3A_334 = tpu.reduce_index %select_n3A_333 {axis = 1 : i32, kind = #tpu.reduction_kind<arg_min>} : vector<1024x4096xf32> -> vector<1024xi32>
    %mul3A_335 = arith.constant 8 : i32
    %mul3A_336 = arith.muli %arg0, %mul3A_335 : i32
    %add3A_337 = arith.constant 0 : i32
    %add3A_338 = arith.addi %mul3A_336, %add3A_337 : i32
    %mul3A_339 = arith.constant 640 : i32
    %mul3A_340 = arith.muli %add3A_338, %mul3A_339 : i32
    %add3A_341 = arith.constant 384 : i32
    %add3A_342 = arith.addi %mul3A_340, %add3A_341 : i32
    %slice3A_343 = vector.extract_strided_slice %argmin3A_334 {offsets = [0], sizes = [128], strides = [1]} : vector<1024xi32> to vector<128xi32>
    %swap3A_344 = arith.index_cast %add3A_342 : i32 to index
    %swap3A_345 = vector.load %arg7[%swap3A_344] : memref<20480xi32, #tpu.memory_space<vmem>>, vector<128xi32>
    tpu.vector_store %arg7[%swap3A_344], %slice3A_343 {strides = array<i32>} : memref<20480xi32, #tpu.memory_space<vmem>>, vector<128xi32>,
    %mul3A_346 = arith.constant 8 : i32
    %mul3A_347 = arith.muli %arg0, %mul3A_346 : i32
    %add3A_348 = arith.constant 1 : i32
    %add3A_349 = arith.addi %mul3A_347, %add3A_348 : i32
    %mul3A_350 = arith.constant 640 : i32
    %mul3A_351 = arith.muli %add3A_349, %mul3A_350 : i32
    %add3A_352 = arith.constant 384 : i32
    %add3A_353 = arith.addi %mul3A_351, %add3A_352 : i32
    %slice3A_354 = vector.extract_strided_slice %argmin3A_334 {offsets = [128], sizes = [128], strides = [1]} : vector<1024xi32> to vector<128xi32>
    %swap3A_355 = arith.index_cast %add3A_353 : i32 to index
    %swap3A_356 = vector.load %arg7[%swap3A_355] : memref<20480xi32, #tpu.memory_space<vmem>>, vector<128xi32>
    tpu.vector_store %arg7[%swap3A_355], %slice3A_354 {strides = array<i32>} : memref<20480xi32, #tpu.memory_space<vmem>>, vector<128xi32>,
    %mul3A_357 = arith.constant 8 : i32
    %mul3A_358 = arith.muli %arg0, %mul3A_357 : i32
    %add3A_359 = arith.constant 2 : i32
    %add3A_360 = arith.addi %mul3A_358, %add3A_359 : i32
    %mul3A_361 = arith.constant 640 : i32
    %mul3A_362 = arith.muli %add3A_360, %mul3A_361 : i32
    %add3A_363 = arith.constant 384 : i32
    %add3A_364 = arith.addi %mul3A_362, %add3A_363 : i32
    %slice3A_365 = vector.extract_strided_slice %argmin3A_334 {offsets = [256], sizes = [128], strides = [1]} : vector<1024xi32> to vector<128xi32>
    %swap3A_366 = arith.index_cast %add3A_364 : i32 to index
    %swap3A_367 = vector.load %arg7[%swap3A_366] : memref<20480xi32, #tpu.memory_space<vmem>>, vector<128xi32>
    tpu.vector_store %arg7[%swap3A_366], %slice3A_365 {strides = array<i32>} : memref<20480xi32, #tpu.memory_space<vmem>>, vector<128xi32>,
    %mul3A_368 = arith.constant 8 : i32
    %mul3A_369 = arith.muli %arg0, %mul3A_368 : i32
    %add3A_370 = arith.constant 3 : i32
    %add3A_371 = arith.addi %mul3A_369, %add3A_370 : i32
    %mul3A_372 = arith.constant 640 : i32
    %mul3A_373 = arith.muli %add3A_371, %mul3A_372 : i32
    %add3A_374 = arith.constant 384 : i32
    %add3A_375 = arith.addi %mul3A_373, %add3A_374 : i32
    %slice3A_376 = vector.extract_strided_slice %argmin3A_334 {offsets = [384], sizes = [128], strides = [1]} : vector<1024xi32> to vector<128xi32>
    %swap3A_377 = arith.index_cast %add3A_375 : i32 to index
    %swap3A_378 = vector.load %arg7[%swap3A_377] : memref<20480xi32, #tpu.memory_space<vmem>>, vector<128xi32>
    tpu.vector_store %arg7[%swap3A_377], %slice3A_376 {strides = array<i32>} : memref<20480xi32, #tpu.memory_space<vmem>>, vector<128xi32>,
    %mul3A_379 = arith.constant 8 : i32
    %mul3A_380 = arith.muli %arg0, %mul3A_379 : i32
    %add3A_381 = arith.constant 4 : i32
    %add3A_382 = arith.addi %mul3A_380, %add3A_381 : i32
    %mul3A_383 = arith.constant 640 : i32
    %mul3A_384 = arith.muli %add3A_382, %mul3A_383 : i32
    %add3A_385 = arith.constant 384 : i32
    %add3A_386 = arith.addi %mul3A_384, %add3A_385 : i32
    %slice3A_387 = vector.extract_strided_slice %argmin3A_334 {offsets = [512], sizes = [128], strides = [1]} : vector<1024xi32> to vector<128xi32>
    %swap3A_388 = arith.index_cast %add3A_386 : i32 to index
    %swap3A_389 = vector.load %arg7[%swap3A_388] : memref<20480xi32, #tpu.memory_space<vmem>>, vector<128xi32>
    tpu.vector_store %arg7[%swap3A_388], %slice3A_387 {strides = array<i32>} : memref<20480xi32, #tpu.memory_space<vmem>>, vector<128xi32>,
    %mul3A_390 = arith.constant 8 : i32
    %mul3A_391 = arith.muli %arg0, %mul3A_390 : i32
    %add3A_392 = arith.constant 5 : i32
    %add3A_393 = arith.addi %mul3A_391, %add3A_392 : i32
    %mul3A_394 = arith.constant 640 : i32
    %mul3A_395 = arith.muli %add3A_393, %mul3A_394 : i32
    %add3A_396 = arith.constant 384 : i32
    %add3A_397 = arith.addi %mul3A_395, %add3A_396 : i32
    %slice3A_398 = vector.extract_strided_slice %argmin3A_334 {offsets = [640], sizes = [128], strides = [1]} : vector<1024xi32> to vector<128xi32>
    %swap3A_399 = arith.index_cast %add3A_397 : i32 to index
    %swap3A_400 = vector.load %arg7[%swap3A_399] : memref<20480xi32, #tpu.memory_space<vmem>>, vector<128xi32>
    tpu.vector_store %arg7[%swap3A_399], %slice3A_398 {strides = array<i32>} : memref<20480xi32, #tpu.memory_space<vmem>>, vector<128xi32>,
    %mul3A_401 = arith.constant 8 : i32
    %mul3A_402 = arith.muli %arg0, %mul3A_401 : i32
    %add3A_403 = arith.constant 6 : i32
    %add3A_404 = arith.addi %mul3A_402, %add3A_403 : i32
    %mul3A_405 = arith.constant 640 : i32
    %mul3A_406 = arith.muli %add3A_404, %mul3A_405 : i32
    %add3A_407 = arith.constant 384 : i32
    %add3A_408 = arith.addi %mul3A_406, %add3A_407 : i32
    %slice3A_409 = vector.extract_strided_slice %argmin3A_334 {offsets = [768], sizes = [128], strides = [1]} : vector<1024xi32> to vector<128xi32>
    %swap3A_410 = arith.index_cast %add3A_408 : i32 to index
    %swap3A_411 = vector.load %arg7[%swap3A_410] : memref<20480xi32, #tpu.memory_space<vmem>>, vector<128xi32>
    tpu.vector_store %arg7[%swap3A_410], %slice3A_409 {strides = array<i32>} : memref<20480xi32, #tpu.memory_space<vmem>>, vector<128xi32>,
    %mul3A_412 = arith.constant 8 : i32
    %mul3A_413 = arith.muli %arg0, %mul3A_412 : i32
    %add3A_414 = arith.constant 7 : i32
    %add3A_415 = arith.addi %mul3A_413, %add3A_414 : i32
    %mul3A_416 = arith.constant 640 : i32
    %mul3A_417 = arith.muli %add3A_415, %mul3A_416 : i32
    %add3A_418 = arith.constant 384 : i32
    %add3A_419 = arith.addi %mul3A_417, %add3A_418 : i32
    %slice3A_420 = vector.extract_strided_slice %argmin3A_334 {offsets = [896], sizes = [128], strides = [1]} : vector<1024xi32> to vector<128xi32>
    %swap3A_421 = arith.index_cast %add3A_419 : i32 to index
    %swap3A_422 = vector.load %arg7[%swap3A_421] : memref<20480xi32, #tpu.memory_space<vmem>>, vector<128xi32>
    tpu.vector_store %arg7[%swap3A_421], %slice3A_420 {strides = array<i32>} : memref<20480xi32, #tpu.memory_space<vmem>>, vector<128xi32>,
    %broadcast_in_dim3A_423 = vector.shape_cast %argmin3A_334 : vector<1024xi32> to vector<1024x1xi32>
    %eq3A_424 = vector.broadcast %broadcast_in_dim3A_423 : vector<1024x1xi32> to vector<1024x4096xi32>
    %eq3A_425 = arith.cmpi eq, %iota3A, %eq3A_424 : vector<1024x4096xi32>
    %jit3A_426 = arith.constant 0x7F800000 : f32
    %broadcast_in_dim3A_427 = vector.broadcast %jit3A_426 : f32 to vector<1024x4096xf32>
    %select_n3A_428 = arith.select %eq3A_425, %broadcast_in_dim3A_427, %select_n3A_333 : vector<1024x4096xi1>, vector<1024x4096xf32>
    %argmin3A_429 = tpu.reduce_index %select_n3A_428 {axis = 1 : i32, kind = #tpu.reduction_kind<arg_min>} : vector<1024x4096xf32> -> vector<1024xi32>
    %mul3A_430 = arith.constant 8 : i32
    %mul3A_431 = arith.muli %arg0, %mul3A_430 : i32
    %add3A_432 = arith.constant 0 : i32
    %add3A_433 = arith.addi %mul3A_431, %add3A_432 : i32
    %mul3A_434 = arith.constant 640 : i32
    %mul3A_435 = arith.muli %add3A_433, %mul3A_434 : i32
    %add3A_436 = arith.constant 512 : i32
    %add3A_437 = arith.addi %mul3A_435, %add3A_436 : i32
    %slice3A_438 = vector.extract_strided_slice %argmin3A_429 {offsets = [0], sizes = [128], strides = [1]} : vector<1024xi32> to vector<128xi32>
    %swap3A_439 = arith.index_cast %add3A_437 : i32 to index
    %swap3A_440 = vector.load %arg7[%swap3A_439] : memref<20480xi32, #tpu.memory_space<vmem>>, vector<128xi32>
    tpu.vector_store %arg7[%swap3A_439], %slice3A_438 {strides = array<i32>} : memref<20480xi32, #tpu.memory_space<vmem>>, vector<128xi32>,
    %mul3A_441 = arith.constant 8 : i32
    %mul3A_442 = arith.muli %arg0, %mul3A_441 : i32
    %add3A_443 = arith.constant 1 : i32
    %add3A_444 = arith.addi %mul3A_442, %add3A_443 : i32
    %mul3A_445 = arith.constant 640 : i32
    %mul3A_446 = arith.muli %add3A_444, %mul3A_445 : i32
    %add3A_447 = arith.constant 512 : i32
    %add3A_448 = arith.addi %mul3A_446, %add3A_447 : i32
    %slice3A_449 = vector.extract_strided_slice %argmin3A_429 {offsets = [128], sizes = [128], strides = [1]} : vector<1024xi32> to vector<128xi32>
    %swap3A_450 = arith.index_cast %add3A_448 : i32 to index
    %swap3A_451 = vector.load %arg7[%swap3A_450] : memref<20480xi32, #tpu.memory_space<vmem>>, vector<128xi32>
    tpu.vector_store %arg7[%swap3A_450], %slice3A_449 {strides = array<i32>} : memref<20480xi32, #tpu.memory_space<vmem>>, vector<128xi32>,
    %mul3A_452 = arith.constant 8 : i32
    %mul3A_453 = arith.muli %arg0, %mul3A_452 : i32
    %add3A_454 = arith.constant 2 : i32
    %add3A_455 = arith.addi %mul3A_453, %add3A_454 : i32
    %mul3A_456 = arith.constant 640 : i32
    %mul3A_457 = arith.muli %add3A_455, %mul3A_456 : i32
    %add3A_458 = arith.constant 512 : i32
    %add3A_459 = arith.addi %mul3A_457, %add3A_458 : i32
    %slice3A_460 = vector.extract_strided_slice %argmin3A_429 {offsets = [256], sizes = [128], strides = [1]} : vector<1024xi32> to vector<128xi32>
    %swap3A_461 = arith.index_cast %add3A_459 : i32 to index
    %swap3A_462 = vector.load %arg7[%swap3A_461] : memref<20480xi32, #tpu.memory_space<vmem>>, vector<128xi32>
    tpu.vector_store %arg7[%swap3A_461], %slice3A_460 {strides = array<i32>} : memref<20480xi32, #tpu.memory_space<vmem>>, vector<128xi32>,
    %mul3A_463 = arith.constant 8 : i32
    %mul3A_464 = arith.muli %arg0, %mul3A_463 : i32
    %add3A_465 = arith.constant 3 : i32
    %add3A_466 = arith.addi %mul3A_464, %add3A_465 : i32
    %mul3A_467 = arith.constant 640 : i32
    %mul3A_468 = arith.muli %add3A_466, %mul3A_467 : i32
    %add3A_469 = arith.constant 512 : i32
    %add3A_470 = arith.addi %mul3A_468, %add3A_469 : i32
    %slice3A_471 = vector.extract_strided_slice %argmin3A_429 {offsets = [384], sizes = [128], strides = [1]} : vector<1024xi32> to vector<128xi32>
    %swap3A_472 = arith.index_cast %add3A_470 : i32 to index
    %swap3A_473 = vector.load %arg7[%swap3A_472] : memref<20480xi32, #tpu.memory_space<vmem>>, vector<128xi32>
    tpu.vector_store %arg7[%swap3A_472], %slice3A_471 {strides = array<i32>} : memref<20480xi32, #tpu.memory_space<vmem>>, vector<128xi32>,
    %mul3A_474 = arith.constant 8 : i32
    %mul3A_475 = arith.muli %arg0, %mul3A_474 : i32
    %add3A_476 = arith.constant 4 : i32
    %add3A_477 = arith.addi %mul3A_475, %add3A_476 : i32
    %mul3A_478 = arith.constant 640 : i32
    %mul3A_479 = arith.muli %add3A_477, %mul3A_478 : i32
    %add3A_480 = arith.constant 512 : i32
    %add3A_481 = arith.addi %mul3A_479, %add3A_480 : i32
    %slice3A_482 = vector.extract_strided_slice %argmin3A_429 {offsets = [512], sizes = [128], strides = [1]} : vector<1024xi32> to vector<128xi32>
    %swap3A_483 = arith.index_cast %add3A_481 : i32 to index
    %swap3A_484 = vector.load %arg7[%swap3A_483] : memref<20480xi32, #tpu.memory_space<vmem>>, vector<128xi32>
    tpu.vector_store %arg7[%swap3A_483], %slice3A_482 {strides = array<i32>} : memref<20480xi32, #tpu.memory_space<vmem>>, vector<128xi32>,
    %mul3A_485 = arith.constant 8 : i32
    %mul3A_486 = arith.muli %arg0, %mul3A_485 : i32
    %add3A_487 = arith.constant 5 : i32
    %add3A_488 = arith.addi %mul3A_486, %add3A_487 : i32
    %mul3A_489 = arith.constant 640 : i32
    %mul3A_490 = arith.muli %add3A_488, %mul3A_489 : i32
    %add3A_491 = arith.constant 512 : i32
    %add3A_492 = arith.addi %mul3A_490, %add3A_491 : i32
    %slice3A_493 = vector.extract_strided_slice %argmin3A_429 {offsets = [640], sizes = [128], strides = [1]} : vector<1024xi32> to vector<128xi32>
    %swap3A_494 = arith.index_cast %add3A_492 : i32 to index
    %swap3A_495 = vector.load %arg7[%swap3A_494] : memref<20480xi32, #tpu.memory_space<vmem>>, vector<128xi32>
    tpu.vector_store %arg7[%swap3A_494], %slice3A_493 {strides = array<i32>} : memref<20480xi32, #tpu.memory_space<vmem>>, vector<128xi32>,
    %mul3A_496 = arith.constant 8 : i32
    %mul3A_497 = arith.muli %arg0, %mul3A_496 : i32
    %add3A_498 = arith.constant 6 : i32
    %add3A_499 = arith.addi %mul3A_497, %add3A_498 : i32
    %mul3A_500 = arith.constant 640 : i32
    %mul3A_501 = arith.muli %add3A_499, %mul3A_500 : i32
    %add3A_502 = arith.constant 512 : i32
    %add3A_503 = arith.addi %mul3A_501, %add3A_502 : i32
    %slice3A_504 = vector.extract_strided_slice %argmin3A_429 {offsets = [768], sizes = [128], strides = [1]} : vector<1024xi32> to vector<128xi32>
    %swap3A_505 = arith.index_cast %add3A_503 : i32 to index
    %swap3A_506 = vector.load %arg7[%swap3A_505] : memref<20480xi32, #tpu.memory_space<vmem>>, vector<128xi32>
    tpu.vector_store %arg7[%swap3A_505], %slice3A_504 {strides = array<i32>} : memref<20480xi32, #tpu.memory_space<vmem>>, vector<128xi32>,
    %mul3A_507 = arith.constant 8 : i32
    %mul3A_508 = arith.muli %arg0, %mul3A_507 : i32
    %add3A_509 = arith.constant 7 : i32
    %add3A_510 = arith.addi %mul3A_508, %add3A_509 : i32
    %mul3A_511 = arith.constant 640 : i32
    %mul3A_512 = arith.muli %add3A_510, %mul3A_511 : i32
    %add3A_513 = arith.constant 512 : i32
    %add3A_514 = arith.addi %mul3A_512, %add3A_513 : i32
    %slice3A_515 = vector.extract_strided_slice %argmin3A_429 {offsets = [896], sizes = [128], strides = [1]} : vector<1024xi32> to vector<128xi32>
    %swap3A_516 = arith.index_cast %add3A_514 : i32 to index
    %swap3A_517 = vector.load %arg7[%swap3A_516] : memref<20480xi32, #tpu.memory_space<vmem>>, vector<128xi32>
    tpu.vector_store %arg7[%swap3A_516], %slice3A_515 {strides = array<i32>} : memref<20480xi32, #tpu.memory_space<vmem>>, vector<128xi32>,
    return
  }
  func.func @transform_0(%arg0: i32) -> (i32, i32) {
    %c0_i32 = arith.constant 0 : i32
    %c0_i32_0 = arith.constant 0 : i32
    return %arg0, %c0_i32 : i32, i32
  }
  func.func @transform_1(%arg0: i32) -> (i32, i32) {
    %c0_i32 = arith.constant 0 : i32
    %c0_i32_0 = arith.constant 0 : i32
    %c0_i32_1 = arith.constant 0 : i32
    return %c0_i32, %c0_i32_0 : i32, i32
  }
  func.func @transform_2(%arg0: i32) -> (i32, i32) {
    %c0_i32 = arith.constant 0 : i32
    %c0_i32_0 = arith.constant 0 : i32
    %c0_i32_1 = arith.constant 0 : i32
    return %c0_i32, %c0_i32_0 : i32, i32
  }
  func.func @transform_3(%arg0: i32) -> (i32, i32) {
    %c0_i32 = arith.constant 0 : i32
    %c0_i32_0 = arith.constant 0 : i32
    %c0_i32_1 = arith.constant 0 : i32
    return %c0_i32, %c0_i32_0 : i32, i32
  }
  func.func @transform_4(%arg0: i32) -> (i32, i32) {
    %c0_i32 = arith.constant 0 : i32
    %c0_i32_0 = arith.constant 0 : i32
    %c0_i32_1 = arith.constant 0 : i32
    return %c0_i32, %c0_i32_0 : i32, i32
  }
  func.func @transform_5(%arg0: i32) -> (i32, i32) {
    %c0_i32 = arith.constant 0 : i32
    %c0_i32_0 = arith.constant 0 : i32
    %c0_i32_1 = arith.constant 0 : i32
    return %c0_i32, %c0_i32_0 : i32, i32
  }
  func.func @transform_6(%arg0: i32) -> i32 {
    %c0_i32 = arith.constant 0 : i32
    %c0_i32_0 = arith.constant 0 : i32
    return %c0_i32 : i32
  }
  func.func @transform_7(%arg0: i32) -> (i32, i32) {
    %c0_i32 = arith.constant 0 : i32
    %c0_i32_0 = arith.constant 0 : i32
    return %arg0, %c0_i32 : i32, i32
  }
}

</mosaic_0001>

<sc_bundles>
// kernel: kernel.4.cloned.1.call-start
scs
__scs_entry_jumppad:
0x0: {  	(pc) =	sbr.rel $0x88, $3  }
0x1: {  	(tag) =	ssettag $0x0;
	lr =	simm.s32 $0x1  }
0x2: {  	[smem:$0x3F9C] =	sst lr;
	_ =	strace $0xD0000000  }
0x3: {  	_ = 	snop  }
0x4: {  	_ = 	snop  }
0x5: {  	_ = 	snop  }
0x6: {  	_ = 	snop  }
0x7: {  	_ = 	snop  }
__scs_overlays_trampoline_lowered:
0x8: {  	[smem:$0x3FAB] =	sst s0  }
0x9: {  	[smem:$0x3FAC] =	sst s1  }
0xa: {  	[smem:$0x3FAD] =	sst s2  }
0xb: {  	[smem:$0x3FAE] =	sst s3  }
0xc: {  	[smem:$0x3FAF] =	sst s4  }
0xd: {  	[smem:$0x3FB0] =	sst s5  }
0xe: {  	[smem:$0x3FB1] =	sst s6  }
0xf: {  	[smem:$0x3FB2] =	sst s7  }
0x10: {  	[smem:$0x3FB3] =	sst s8  }
0x11: {  	[smem:$0x3FB4] =	sst s9;
	s0 =	simm.s32 @!p0 $0x0  }
0x12: {  	s1 =	sld [smem:$0x3F9A];
	s0 =	simm.s32 @p0 $0x1  }
0x13: {  	[smem:$0x3FB5] =	sst s0;
	s0 =	simm.s32 @!p1 $0x0  }
0x14: {  	s2 =	sld [smem:$0x3F99];
	s0 =	simm.s32 @p1 $0x1  }
0x15: {  	[smem:$0x3FB6] =	sst s0;
	s0 =	simm.s32 @!p2 $0x0  }
0x16: {  	s3 =	sld [smem:$0x3FDB];
	s0 =	simm.s32 @p2 $0x1  }
0x17: {  	s4 =	simm.s32 $0x1BF5;
	[smem:$0x3FB8] =	sst s0  }
0x18: {  	s0 =	sld [smem:$0x3F9B];
	_ =	swait.ge [sflag:s4], $0x0  }
0x19: {  	s7 =	sld [smem:$0x3F9C]  }
0x1a: {  	s8 =	sadd.s32 $0xFFFFE003, lr  }
0x1b: {  	s9 =	sadd.s32 $0xFFFFFEF7, lr;
	s5 =	simm.s32 $0xFFFFFFFF;
	p2 =	slt.u32 s8, $0xFFFFF086  }
0x1c: {  	p1 =	slt.u32 s9, $0xF7A;
	s5 =	simm.s32 @!p2 $0x0  }
0x1d: {  	s5 =	simm.s32 @p1 $0x1;
	p0 =	seq.s32 s7, s2  }
0x1e: {  	s7 =	smul.u32 @!p0 $0xF7A, s2;
	p2 =	seq.s32 @!p0 s5, $0x0  }
0x1f: {  	s9 =	smul.u32 $0xF7A, s1;
	s8 =	simm.s32 @!p0 $0x1BF5;
	p2 =	por !p2, p0  }
0x20: {  	[sflag:s8] =	ssyncset.s32 @!p0 $0xFFFFF086;
	s6 =	sadd.s32 @!p0 s3, s7;
	s7 =	simm.s32 @!p0 $0x108  }
0x21: {  	s3 =	sadd.s32 s3, s9;
	s6 =	sadd.s32 @!p0 $0x88, s6;
	s7 =	simm.s32 @p2 $0x1082  }
0x22: {  	[simem:s7], [sflag:s8] =	dma.local @!p0 [hbm:s6], $0xF7A  }
0x23: {  	s9 =	sor.u32 $0xD0000000, s2;
	s6 =	simm.s32 $0x108;
	_ =	swait.ge @!p0 [sflag:s8], $0x0  }
0x24: {  	s3 =	sadd.s32 $0x88, s3;
	s6 =	simm.s32 @!p1 $0x1082;
	[sflag:s4] =	ssyncset.s32 $0xFFFFF086  }
0x25: {  	[simem:s6], [sflag:s4] =	dma.local [hbm:s3], $0xF7A  }
0x26: {  	[smem:$0x3F9C] =	sst s1;
	(tag) =	ssettag s2;
	_ =	strace s9  }
0x27: {  	s1 =	sld [smem:$0x3FAC]  }
0x28: {  	s2 =	sld [smem:$0x3FAD]  }
0x29: {  	s4 =	sld [smem:$0x3FAF]  }
0x2a: {  	p0 =	seq.s32 s5, $0x0;
	s5 =	sld [smem:$0x3FB0]  }
0x2b: {  	s6 =	sld [smem:$0x3FB1]  }
0x2c: {  	s7 =	sld [smem:$0x3FB2]  }
0x2d: {  	s3 =	simm.s32 $0x108;
	s8 =	sld [smem:$0x3FB3]  }
0x2e: {  	s3 =	simm.s32 @!p0 $0x1082;
	s9 =	sld [smem:$0x3FB4]  }
0x2f: {  	lr =	sadd.s32 s0, s3;
	s0 =	sld [smem:$0x3FAB]  }
0x30: {  	s3 =	sld [smem:$0x3FAE]  }
0x31: {  	[smem:$0x3FB7] =	sst s10  }
0x32: {  	s10 =	sld [smem:$0x3FB5];
	_ =	sdelay $0x3  }
0x33: {  	p0 =	seq.s32 s10, $0x1;
	s10 =	sld [smem:$0x3FB7];
	_ =	sdelay $0x3  }
0x34: {  	[smem:$0x3FB7] =	sst s10  }
0x35: {  	s10 =	sld [smem:$0x3FB6];
	_ =	sdelay $0x3  }
0x36: {  	p1 =	seq.s32 s10, $0x1;
	s10 =	sld [smem:$0x3FB7];
	_ =	sdelay $0x3  }
0x37: {  	[smem:$0x3FB7] =	sst s10  }
0x38: {  	s10 =	sld [smem:$0x3FB8]  }
0x39: {  	_ = 	snop;
	(pc) =	sbr.ind lr, $3  }
0x3a: {  	_ = 	snop  }
0x3b: {  	_ = 	snop  }
0x3c: {  	p2 =	seq.s32 s10, $0x1;
	s10 =	sld [smem:$0x3FB7]  }
0x3d: {  	_ =	shalt  }
0x3e: {  	_ =	shalt  }
0x3f: {  	_ =	shalt  }
0x40: {  	_ =	shalt  }
0x41: {  	_ =	shalt  }
0x42: {  	_ =	shalt  }
0x43: {  	_ =	shalt  }
0x44: {  	_ =	shalt  }
0x45: {  	_ =	shalt  }
0x46: {  	_ =	shalt  }
0x47: {  	_ =	shalt  }
0x48: {  	_ =	shalt  }
0x49: {  	_ =	shalt  }
0x4a: {  	_ =	shalt  }
0x4b: {  	_ =	shalt  }
0x4c: {  	_ =	shalt  }
0x4d: {  	_ =	shalt  }
0x4e: {  	_ =	shalt  }
0x4f: {  	_ =	shalt  }
0x50: {  	_ =	shalt  }
0x51: {  	_ =	shalt  }
0x52: {  	_ =	shalt  }
0x53: {  	_ =	shalt  }
0x54: {  	_ =	shalt  }
0x55: {  	_ =	shalt  }
0x56: {  	_ =	shalt  }
0x57: {  	_ =	shalt  }
0x58: {  	_ =	shalt  }
0x59: {  	_ =	shalt  }
0x5a: {  	_ =	shalt  }
0x5b: {  	_ =	shalt  }
0x5c: {  	_ =	shalt  }
0x5d: {  	_ =	shalt  }
0x5e: {  	_ =	shalt  }
0x5f: {  	_ =	shalt  }
0x60: {  	_ =	shalt  }
0x61: {  	_ =	shalt  }
0x62: {  	_ =	shalt  }
0x63: {  	_ =	shalt  }
0x64: {  	_ =	shalt  }
0x65: {  	_ =	shalt  }
0x66: {  	_ =	shalt  }
0x67: {  	_ =	shalt  }
0x68: {  	_ =	shalt  }
0x69: {  	_ =	shalt  }
0x6a: {  	_ =	shalt  }
0x6b: {  	_ =	shalt  }
0x6c: {  	_ =	shalt  }
0x6d: {  	_ =	shalt  }
0x6e: {  	_ =	shalt  }
0x6f: {  	_ =	shalt  }
0x70: {  	_ =	shalt  }
0x71: {  	_ =	shalt  }
0x72: {  	_ =	shalt  }
0x73: {  	_ =	shalt  }
0x74: {  	_ =	shalt  }
0x75: {  	_ =	shalt  }
0x76: {  	_ =	shalt  }
0x77: {  	_ =	shalt  }
0x78: {  	_ =	shalt  }
0x79: {  	_ =	shalt  }
0x7a: {  	_ =	shalt  }
0x7b: {  	_ =	shalt  }
0x7c: {  	_ =	shalt  }
0x7d: {  	_ =	shalt  }
0x7e: {  	_ =	shalt  }
0x7f: {  	_ =	shalt  }
0x80: {  	_ =	shalt  }
0x81: {  	_ =	shalt  }
0x82: {  	_ =	shalt  }
0x83: {  	_ =	shalt  }
0x84: {  	_ =	shalt  }
0x85: {  	_ =	shalt  }
0x86: {  	_ =	shalt  }
0x87: {  	_ =	shalt  }
.Lfunc_end0:
.L_simem_size_0:
called_computation_lowered:
.L_overlay_start_0:
0x88: {  	s2 =	sld [smem:$0x3FD9]  }
0x89: {  	s3 =	sld [smem:$0x3FFE];
	_ =	sdelay $0x1  }
0x8a: {  	s1 =	srdreg.scid  }
0x8b: {  	s0 =	sand.u32 $0x1, s1  }
0x8c: {  	s17 =	sshll.u32 s0, $0xA;
	s2 =	sadd.s32 s3, s2  }
0x8d: {  	s2 =	sadd.s32 s2, s17  }
0x8e: {  	[smem:$0x3FC3] =	sst s2  }
0x8f: {  	_ = 	snop  }
0x90: {  	s2 =	sld [smem:$0x3FD0];
	(tm) =	ssettm $0x1  }
0x91: {  	s18 =	sld [smem:$0x3FFB];
	_ =	sdelay $0x3  }
0x92: {  	_ =	strace s18  }
0x93: {  	s3 =	sld [smem:$0x3FFC];
	_ =	sdelay $0x3  }
0x94: {  	_ =	strace s3  }
0x95: {  	s3 =	sld [smem:$0x3FFD];
	_ =	sdelay $0x3  }
0x96: {  	_ =	strace s3  }
0x97: {  	_ =	strace $0x8FFFFFFF  }
0x98: {  	s19 =	sld [smem:$0x3FDB];
	_ =	sdelay $0x1  }
0x99: {  	s4 =	simm.s32 $_scs_section_size  }
0x9a: {  	s5 =	simm.s32 $_size__tile_overlayer_lowered;
	s6 =	simm.s32 $_tile_overlayer_lowered  }
0x9b: {  	s22 =	simm.s32 $0x1BFF;
	s21 =	sshll.u32 s6, $0x1;
	s3 =	sadd.s32 s4, s19  }
0x9c: {  	s7 =	simm.s32 $0x0;
	s20 =	sshll.u32 s5, $0x1;
	s5 =	sadd.s32 s21, s3  }
0x9d: {  	[timem:s7], [sflag:s22] =	dma.local [hbm:s5], s20  }
0x9e: {  	_ =	swait.ge [sflag:s22], s20  }
0x9f: {  	s4 =	ssub.s32 $0x0, s20;
	[sflag:s22] =	ssyncset.done $0x0  }
0xa0: {  	[sflag:s22] =	ssyncadd.s32 s4;
	_ =	sdelay $0x1  }
0xa1: {  	s23 =	simm.s32 $0x1B8B  }
0xa2: {  	_ =	swait.ge [sflag:s23], $0x1  }
0xa3: {  	[sflag:s23] =	ssyncset.done $0x0  }
0xa4: {  	s25 =	simm.s32 $0x1B8E;
	s24 =	sld [smem:$0x3FFE];
	[sflag:s23] =	ssyncadd.s32 $0xFFFFFFFF  }
0xa5: {  	s26 =	simm.s32 $execute0_lowered;
	[smem:$0x3FD2] =	sst s25  }
0xa6: {  	s5 =	sshll.u32 s26, $0x1;
	_ =	strace $0x80000046;
	[dreg:$0x1] =	wrdreg $0xFFFFFFFF  }
0xa7: {  	s28 =	simm.s32 $_size_execute0_lowered;
	s3 =	sadd.s32 s3, s5;
	[dreg:$0x0] =	wrdreg $0x0  }
0xa8: {  	s5 =	sshll.u32 s28, $0x1;
	[dreg:$0x2] =	wrdreg s3  }
0xa9: {  	[dreg:$0x3] =	wrdreg s5  }
0xaa: {  	[dreg:$0x4] =	wrdreg $0xC0  }
0xab: {  	_ =	task [dreg:s7], $0x5FFFF  }
0xac: {  	[dreg:$0x1] =	wrdreg $0xFFFFFFFF  }
0xad: {  	[dreg:$0x0] =	wrdreg $0x60  }
0xae: {  	[dreg:$0x2] =	wrdreg s2  }
0xaf: {  	[dreg:$0x3] =	wrdreg s24  }
0xb0: {  	[dreg:$0x4] =	wrdreg $0x9  }
0xb1: {  	_ =	task.clear_ibuf [dreg:s7], $0x5FFFF;
	_ =	strace $0x90000046  }
0xb2: {  	s29 =	simm.s32 $0x9;
	_ =	strace $0x80000048  }
0xb3: {  	_ =	swait.ge [sflag:s29], $0x1  }
0xb4: {  	[sflag:s29] =	ssyncadd.s32 $0xFFFFFFFF  }
0xb5: {  	_ =	strace $0x90000048  }
0xb6: {  	_ =	sfence  }
0xb7: {  	s30 =	sld [smem:$0x0];
	_ =	sdelay $0x2  }
0xb8: {  	s31 =	sshll.u32 s1, $0xD;
	s1 =	sshrl.u32 s1, $0x2  }
0xb9: {  	s3 =	sand.u32 $0x4000, s31;
	s1 =	sadd.s32 s1, s30  }
0xba: {  	s0 =	sor.u32 s3, s0;
	s1 =	sshll.u32 s1, $0x11  }
0xbb: {  	s0 =	sor.u32 s1, s0  }
0xbc: {  	s0 =	sadd.s32 $0x8F2B, s0  }
0xbd: {  	[sflag:s0] =	ssyncadd.remote.s32 $0x1  }
0xbe: {  	_ =	sfence.sel $0xFFFF  }
0xbf: {  	[dreg:$0x0] =	wrdreg $0xFFFFFFFF;
	(pc) =	sbr.abs _section_cstart, $3  }
0xc0: {  	[dreg:$0x1] =	wrdreg $0xFFFFFFFF  }
0xc1: {  	_ =	task.clear_ibuf [dreg:s7], $0x2FFFF;
	_ =	strace $0x9FFFFFFF  }
0xc2: {  	(tm) =	ssettm $0x7FFFFFFF  }
0xc3: {  	_ =	shalt  }
tec
execute0_lowered:
.L_overlay_start_1:
0x0: {  	(tag) =	ssettag $0x1  }
0x1: {  	s2 =	rddreg [dreg:$0x0];
	s1 =	srdreg.scid  }
0x2: {  	s0 =	stileid.u32;
	s4 =	rddreg [dreg:$0x1]  }
0x3: {  	s3 =	simm.s32 $0x0;
	s9 =	simm.s32 $0x280;
	s10 =	simm.s32 $0x1280  }
0x4: {  	s11 =	simm.s32 $0x100;
	s12 =	simm.s32 $0x2280;
	s13 =	simm.s32 $0x180  }
0x5: {  	s14 =	simm.s32 $0x3280;
	s15 =	simm.s32 $0x200;
	s16 =	simm.s32 $0x4280  }
0x6: {  	s17 =	simm.s32 $0x1;
	s18 =	simm.s32 $0x5280;
	s19 =	simm.s32 $0x0  }
0x7: {  	s5 =	sand.u32 $0x1, s1;
	s6 =	sshll.u32 s0, $0x1;
	s1 =	rddreg [dreg:$0x2]  }
0x8: {  	[smem:$0x7FF] =	sst s3;
	s6 =	sor.u32 s5, s6;
	s5 =	ssub.s32 $0x2, s5  }
0x9: {  	s7 =	smul.u32 $0x50, s6;
	s6 =	sshll.u32 s6, $0x9;
	s8 =	sshrl.u32 s5, $0x1  }
0xa: {  	_ =	strace $0x80000047;
	s6 =	sadd.s32 s6, s4;
	s8 =	ssub.s32 s5, s8  }
0xb: {  	s7 =	sadd.s32 s7, s4;
	s5 =	sadd.s32 $0x1A00, s6;
	s6 =	smax.u32 s8, $0x1  }
0xc: {  	s8 =	simm.s32 $0x80;
	s4 =	sadd.s32 $0x1000, s7;
	s7 =	simm.s32 $0x2  }
.LBB2_1:
0xd: {  	[tilespmem:s3], [sflag:$0x2] =	stream.linear.gather [hbm4b:s4+s3], $0x280, $0x38;
	[tilespmem:$0x6280] =	vst v63  }
0xe: {  	_ =	swait.ge [sflag:s7], $0x280  }
0xf: {  	[sflag:s7] =	ssyncset.done $0x0  }
0x10: {  	[sflag:s7] =	ssyncadd.s32 $0xFFFFFD80  }
0x11: {  	[tilespmem:s9], [sflag:$0x1] =	stream.indirect.gather [hbm4b:s2+s8], $0x20, s3, s8, $0xb8;
	[tilespmem:$0x6280] =	vst v63  }
0x12: {  	_ = 	snop  }
0x13: {  	[tilespmem:s10], [sflag:$0x1] =	stream.indirect.gather [hbm4b:s2+s8], $0x20, s8, s8, $0xb8;
	[tilespmem:$0x6280] =	vst v63  }
0x14: {  	_ = 	snop  }
0x15: {  	[tilespmem:s12], [sflag:$0x1] =	stream.indirect.gather [hbm4b:s2+s8], $0x20, s11, s8, $0xb8;
	[tilespmem:$0x6280] =	vst v63  }
0x16: {  	_ = 	snop  }
0x17: {  	[tilespmem:s14], [sflag:$0x1] =	stream.indirect.gather [hbm4b:s2+s8], $0x20, s13, s8, $0xb8;
	[tilespmem:$0x6280] =	vst v63  }
0x18: {  	_ = 	snop  }
0x19: {  	[tilespmem:s16], [sflag:$0x1] =	stream.indirect.gather [hbm4b:s2+s8], $0x20, s15, s8, $0xb8;
	[tilespmem:$0x6280] =	vst v63  }
0x1a: {  	_ =	swait.ge [sflag:s17], $0x1000  }
0x1b: {  	[sflag:s17] =	ssyncset.done $0x0  }
0x1c: {  	[sflag:s17] =	ssyncadd.s32 $0xFFFFF000  }
0x1d: {  	_ =	swait.ge [sflag:s17], $0x1000  }
0x1e: {  	[sflag:s17] =	ssyncset.done $0x0  }
0x1f: {  	[sflag:s17] =	ssyncadd.s32 $0xFFFFF000  }
0x20: {  	_ =	swait.ge [sflag:s17], $0x1000  }
0x21: {  	[sflag:s17] =	ssyncset.done $0x0  }
0x22: {  	[sflag:s17] =	ssyncadd.s32 $0xFFFFF000  }
0x23: {  	_ =	swait.ge [sflag:s17], $0x1000  }
0x24: {  	[sflag:s17] =	ssyncset.done $0x0  }
0x25: {  	[sflag:s17] =	ssyncadd.s32 $0xFFFFF000  }
0x26: {  	_ =	swait.ge [sflag:s17], $0x1000  }
0x27: {  	[sflag:s17] =	ssyncset.done $0x0  }
0x28: {  	s20 =	simm.s32 $0x0;
	[sflag:s17] =	ssyncadd.s32 $0xFFFFF000  }
0x29: {  	v0 =	vld [tilespmem:s20+$0x290]  }
0x2a: {  	v1 =	vld [tilespmem:s20+$0x1290]  }
0x2b: {  	v5 =	vld [tilespmem:s20+$0x280]  }
0x2c: {  	v6 =	vld [tilespmem:s20+$0x2290]  }
0x2d: {  	v7 =	vld [tilespmem:s20+$0x1280]  }
0x2e: {  	v8 =	vld [tilespmem:s20+$0x3290]  }
0x2f: {  	v2 =	vld [tilespmem:s20+$0x2280];
	v0 =	vadd.f32 v1, v0  }
0x30: {  	v4 =	vld [tilespmem:s20+$0x4290]  }
0x31: {  	v3 =	vld [tilespmem:s20+$0x3280];
	v6 =	vadd.f32 v6, v0  }
0x32: {  	s21 =	simm.s32 $0x20;
	v1 =	vld [tilespmem:s20+$0x4280];
	v5 =	vadd.f32 v7, v5  }
0x33: {  	s22 =	simm.s32 $0x100;
	v0 =	vld [tilespmem:s21+$0x290];
	v6 =	vadd.f32 v8, v6  }
.LBB2_2:
0x34: {  	p0 =	sne.s32 s22, $0x3F80;
	v7 =	vld [tilespmem:s21+$0x1290];
	v2 =	vadd.f32 v2, v5  }
0x35: {  	v5 =	vld [tilespmem:s21+$0x280];
	v4 =	vadd.f32 v4, v6  }
0x36: {  	v6 =	vld [tilespmem:s21+$0x2290];
	v2 =	vadd.f32 v3, v2  }
0x37: {  	v8 =	vld [tilespmem:s21+$0x1280];
	[tilespmem:s20+$0x5290] =	vst v4  }
0x38: {  	v9 =	vld [tilespmem:s21+$0x3290];
	v1 =	vadd.f32 v1, v2  }
.Ltmp0:
0x39: {  	v2 =	vld [tilespmem:s21+$0x2280];
	v0 =	vadd.f32 v7, v0;
	(pc) =	sbr.rel @p0 .LBB2_2-.Ltmp0, $4  }
0x3a: {  	v4 =	vld [tilespmem:s21+$0x4290];
	[tilespmem:s20+$0x5280] =	vst v1;
	s20 =	smov.u32 s21  }
0x3b: {  	v3 =	vld [tilespmem:s20+$0x3280];
	v6 =	vadd.f32 v6, v0  }
0x3c: {  	s21 =	sshra.s32 s22, $0x2;
	v5 =	vadd.f32 v8, v5;
	v1 =	vld [tilespmem:s20+$0x4280]  }
0x3d: {  	s22 =	sadd.s32 $0x80, s22;
	v0 =	vld [tilespmem:s21+$0x290];
	v6 =	vadd.f32 v9, v6  }
0x3e: {  	v7 =	vld [tilespmem:s21+$0x1290];
	v2 =	vadd.f32 v2, v5  }
0x3f: {  	v8 =	vld [tilespmem:s21+$0x280];
	v4 =	vadd.f32 v4, v6  }
0x40: {  	v59 =	vld [tilespmem:s21+$0x2290];
	v2 =	vadd.f32 v3, v2  }
0x41: {  	v60 =	vld [tilespmem:s21+$0x1280];
	[tilespmem:s20+$0x5290] =	vst v4  }
0x42: {  	v61 =	vld [tilespmem:s21+$0x3290];
	v1 =	vadd.f32 v1, v2  }
0x43: {  	v62 =	vld [tilespmem:s21+$0x2280]  }
0x44: {  	v4 =	vld [tilespmem:s21+$0x4290];
	[tilespmem:s20+$0x5280] =	vst v1  }
0x45: {  	v0 =	vadd.f32 v7, v0;
	v1 =	vld [tilespmem:s21+$0x3280]  }
0x46: {  	v6 =	vadd.f32 v60, v8  }
0x47: {  	v0 =	vadd.f32 v59, v0;
	v63 =	vld [tilespmem:s21+$0x4280]  }
0x48: {  	v2 =	vadd.f32 v62, v6  }
0x49: {  	v0 =	vadd.f32 v61, v0  }
0x4a: {  	v1 =	vadd.f32 v1, v2  }
0x4b: {  	v0 =	vadd.f32 v4, v0  }
0x4c: {  	s19 =	sadd.s32 $0x1, s19;
	v1 =	vadd.f32 v63, v1  }
0x4d: {  	p0 =	sne.s32 s19, s6;
	[tilespmem:s21+$0x5290] =	vst v0  }
.Ltmp1:
0x4e: {  	[tilespmem:s21+$0x5280] =	vst v1;
	(pc) =	sbr.rel @p0 .LBB2_1-.Ltmp1, $4  }
0x4f: {  	[hbm4b:s5+s3] =	stream.linear.scatter [tilespmem:s18], [sflag:$0x2], $0x1000, $0x38;
	[tilespmem:$0x6280] =	vst v63  }
0x50: {  	_ =	swait.ge [sflag:s7], $0x1000  }
0x51: {  	[sflag:s7] =	ssyncset.done $0x0  }
0x52: {  	[sflag:s7] =	ssyncadd.s32 $0xFFFFF000  }
0x53: {  	_ =	sfence.sel $0x180000  }
0x54: {  	[bflag:$0x0] =	sbarrier.arrive $0xFFFF  }
0x55: {  	p0 =	sne.s32 s0, $0x0;
	_ =	strace $0x90000047  }
0x56: {  	s0 =	sadd.s32 @!p0 $0x100000, s1;
	[bflag:$0x2] =	sbarrier.arrive $0xFFFF  }
0x57: {  	[sflag:s0] =	ssyncadd.tile.s32 @!p0 $0x1;
	_ =	shalt  }
.Lfunc_end2:
_tile_overlayer_lowered:
.L_overlay_start_2:
0x58: {  	(tag) =	ssettag $0x2  }
0x59: {  	s0 =	rddreg [dreg:$0x0];
	s2 =	stileid.u32  }
0x5a: {  	s1 =	rddreg [dreg:$0x1];
	p0 =	sne.s32 s2, $0x0  }
0x5b: {  	s3 =	rddreg [dreg:$0x2];
	[bflag:$0x3] =	sbarrier.arrive $0xFFFF;
	s2 =	simm.s32 @!p0 $0x1C02  }
0x5c: {  	[timem:s3], [sflag:s2] =	dma.local @!p0 [hbm:s0], s1  }
0x5d: {  	s0 =	simm.s32 @!p0 $0x2  }
0x5e: {  	_ =	swait.ge @!p0 [sflag:s0], s1  }
0x5f: {  	s1 =	ssub.s32 @!p0 $0x0, s1;
	[sflag:s0] =	ssyncset.done @!p0 $0x0  }
0x60: {  	[sflag:s0] =	ssyncadd.s32 @!p0 s1  }
0x61: {  	[bflag:$0x3] =	sbarrier.arrive $0xFFFF  }
0x62: {  	_ =	shalt  }

</sc_bundles>
